<compile_context>
chip_gen: v7x
topology: tpu7x:2x2x1
jax: 0.10.2.dev20260603
libtpu: 0.0.44.dev20260713+nightly
codegen_flags: <defaults>
</compile_context>

<pallas_src>
import functools

import jax
import jax.numpy as jnp
from jax import lax
from jax.experimental import pallas as pl
from jax.experimental.pallas import tpu as pltpu
from jax.experimental.pallas import tpu_sc as plsc

N_NODES = 10000
PAD_N = 10240
N_EDGES = 320000
D = 128

NC = 2
NS = 16
NW = NC * NS
K = 64
NCHUNK = 157
EPT = NCHUNK * K
REAL_EPT = N_EDGES // NW
RPS = PAD_N // NS

ROW_BLK = 512
GRID = PAD_N // ROW_BLK

_mesh = functools.partial(
    plsc.VectorSubcoreMesh, core_axis_name="core", subcore_axis_name="subcore")


def _sc_degree(dst2d, zeros16, ones16):
    @functools.partial(
        pl.kernel,
        out_type=jax.ShapeDtypeStruct((NC, PAD_N, 16), jnp.float32),
        mesh=_mesh(),
        scratch_types=[
            pltpu.VMEM_SHARED((PAD_N, 16), jnp.float32),
            pltpu.VMEM((NCHUNK, K), jnp.int32),
            pltpu.VMEM((K, 16), jnp.float32),
        ],
        compiler_params=pltpu.CompilerParams(use_tc_tiling_on_sc=False),
    )
    def deg_kernel(dst_hbm, z_hbm, ones_hbm, out_hbm, acc, idx_v, ones_v):
        c = lax.axis_index("core")
        s = lax.axis_index("subcore")
        wid = s * NC + c
        pltpu.sync_copy(z_hbm, acc.at[pl.ds(s * RPS, RPS)])
        pltpu.sync_copy(dst_hbm.at[wid], idx_v)
        pltpu.sync_copy(ones_hbm, ones_v)
        plsc.subcore_barrier()

        @pl.loop(0, NCHUNK)
        def _(i):
            pltpu.sync_copy(ones_v, acc.at[idx_v.at[i]], add=True)

        plsc.subcore_barrier()
        pltpu.sync_copy(acc.at[pl.ds(s * RPS, RPS)],
                        out_hbm.at[c].at[pl.ds(s * RPS, RPS)])

    return deg_kernel(dst2d, zeros16, ones16)


def _sc_aggregate(table, src2d, dst2d, zeros128):
    @functools.partial(
        pl.kernel,
        out_type=jax.ShapeDtypeStruct((NC, PAD_N, D), jnp.float32),
        mesh=_mesh(),
        scratch_types=[
            pltpu.VMEM_SHARED((PAD_N, D), jnp.float32),
            pltpu.VMEM((NCHUNK, K), jnp.int32),
            pltpu.VMEM((NCHUNK, K), jnp.int32),
            pltpu.VMEM((K, D), jnp.float32),
            pltpu.VMEM((K, D), jnp.float32),
            pltpu.VMEM((K, D), jnp.float32),
            pltpu.SemaphoreType.DMA,
            pltpu.SemaphoreType.DMA,
            pltpu.SemaphoreType.DMA,
            pltpu.SemaphoreType.DMA,
        ],
        compiler_params=pltpu.CompilerParams(use_tc_tiling_on_sc=False),
    )
    def agg_kernel(table_hbm, src_hbm, dst_hbm, z_hbm, out_hbm,
                   acc, src_v, dst_v, rows0, rows1, rows2, sem0, sem1, sem2, isem):
        c = lax.axis_index("core")
        s = lax.axis_index("subcore")
        wid = s * NC + c
        row0 = s * RPS
        @pl.when(c == 0)
        def _():
            pltpu.async_copy(table_hbm.at[pl.ds(row0, RPS)],
                             acc.at[pl.ds(row0, RPS)], isem)

        @pl.when(c == 1)
        def _():
            pltpu.async_copy(z_hbm, acc.at[pl.ds(row0, RPS)], isem)

        pltpu.async_copy(src_hbm.at[wid], src_v, sem0)
        pltpu.async_copy(dst_hbm.at[wid], dst_v, sem1)
        pltpu.make_async_copy(z_hbm, acc.at[pl.ds(row0, RPS)], isem).wait()
        pltpu.make_async_copy(src_hbm.at[wid], src_v, sem0).wait()
        pltpu.make_async_copy(dst_hbm.at[wid], dst_v, sem1).wait()
        plsc.subcore_barrier()

        pltpu.async_copy(table_hbm.at[src_v.at[0]], rows0, sem0)
        pltpu.async_copy(table_hbm.at[src_v.at[1]], rows1, sem1)
        pltpu.async_copy(table_hbm.at[src_v.at[2]], rows2, sem2)

        @pl.loop(0, NCHUNK - 1, step=3)
        def _(j):
            pltpu.make_async_copy(table_hbm.at[src_v.at[j]], rows0, sem0).wait()
            pltpu.sync_copy(rows0, acc.at[dst_v.at[j]], add=True)
            pltpu.async_copy(table_hbm.at[src_v.at[j + 3]], rows0, sem0)

            pltpu.make_async_copy(table_hbm.at[src_v.at[j + 1]], rows1,
                                  sem1).wait()
            pltpu.sync_copy(rows1, acc.at[dst_v.at[j + 1]], add=True)

            @pl.when(j + 4 < NCHUNK)
            def _():
                pltpu.async_copy(table_hbm.at[src_v.at[j + 4]], rows1, sem1)

            pltpu.make_async_copy(table_hbm.at[src_v.at[j + 2]], rows2,
                                  sem2).wait()
            pltpu.sync_copy(rows2, acc.at[dst_v.at[j + 2]], add=True)

            @pl.when(j + 5 < NCHUNK)
            def _():
                pltpu.async_copy(table_hbm.at[src_v.at[j + 5]], rows2, sem2)

        pltpu.make_async_copy(table_hbm.at[src_v.at[NCHUNK - 1]], rows0,
                              sem0).wait()
        pltpu.sync_copy(rows0, acc.at[dst_v.at[NCHUNK - 1]], add=True)

        plsc.subcore_barrier()
        pltpu.sync_copy(acc.at[pl.ds(row0, RPS)],
                        out_hbm.at[c].at[pl.ds(row0, RPS)])

    return agg_kernel(table, src2d, dst2d, zeros128)


def _mm_raw_body(x_ref, w_ref, h_ref):
    h_ref[...] = jnp.dot(x_ref[...], w_ref[...])


def _tc_mm_raw(x, W1):
    return pl.pallas_call(
        _mm_raw_body,
        grid=(GRID,),
        in_specs=[
            pl.BlockSpec((ROW_BLK, D), lambda i: (i, 0)),
            pl.BlockSpec((D, D), lambda i: (0, 0)),
        ],
        out_specs=pl.BlockSpec((ROW_BLK, D), lambda i: (i, 0)),
        out_shape=jax.ShapeDtypeStruct((PAD_N, D), jnp.float32),
    )(x, W1)


def _scale_body(h_ref, degp_ref, hs_ref, dinv_ref):
    dp = degp_ref[...]
    deg = dp[0][:, 0:1] + dp[1][:, 0:1] + 1.0
    dinv = lax.rsqrt(deg)
    hs_ref[...] = h_ref[...] * dinv
    dinv_ref[...] = dinv


def _tc_scale(h, degp):
    return pl.pallas_call(
        _scale_body,
        grid=(GRID,),
        in_specs=[
            pl.BlockSpec((ROW_BLK, D), lambda i: (i, 0)),
            pl.BlockSpec((NC, ROW_BLK, 16), lambda i: (0, i, 0)),
        ],
        out_specs=[
            pl.BlockSpec((ROW_BLK, D), lambda i: (i, 0)),
            pl.BlockSpec((ROW_BLK, 1), lambda i: (i, 0)),
        ],
        out_shape=[
            jax.ShapeDtypeStruct((PAD_N, D), jnp.float32),
            jax.ShapeDtypeStruct((PAD_N, 1), jnp.float32),
        ],
    )(h, degp)


def _mm2_body(accp_ref, dinv_ref, b1_ref, w_ref, h_ref):
    ap = accp_ref[...]
    dinv = dinv_ref[...]
    pre = (ap[0] + ap[1]) * dinv + b1_ref[...]
    h1 = jnp.maximum(pre, 0.0)
    h_ref[...] = jnp.dot(h1, w_ref[...]) * dinv


def _tc_mm2(accp, dinv, b1, W2):
    return pl.pallas_call(
        _mm2_body,
        grid=(GRID,),
        in_specs=[
            pl.BlockSpec((NC, ROW_BLK, D), lambda i: (0, i, 0)),
            pl.BlockSpec((ROW_BLK, 1), lambda i: (i, 0)),
            pl.BlockSpec((1, D), lambda i: (0, 0)),
            pl.BlockSpec((D, D), lambda i: (0, 0)),
        ],
        out_specs=pl.BlockSpec((ROW_BLK, D), lambda i: (i, 0)),
        out_shape=jax.ShapeDtypeStruct((PAD_N, D), jnp.float32),
    )(accp, dinv, b1, W2)


def _out_body(accp_ref, dinv_ref, b2_ref, o_ref):
    ap = accp_ref[...]
    o_ref[...] = (ap[0] + ap[1]) * dinv_ref[...] + b2_ref[...]


def _tc_out(accp, dinv, b2):
    return pl.pallas_call(
        _out_body,
        grid=(GRID,),
        in_specs=[
            pl.BlockSpec((NC, ROW_BLK, D), lambda i: (0, i, 0)),
            pl.BlockSpec((ROW_BLK, 1), lambda i: (i, 0)),
            pl.BlockSpec((1, D), lambda i: (0, 0)),
        ],
        out_specs=pl.BlockSpec((ROW_BLK, D), lambda i: (i, 0)),
        out_shape=jax.ShapeDtypeStruct((PAD_N, D), jnp.float32),
    )(accp, dinv, b2)


def kernel(x, edge_index, W1, b1, W2, b2):
    ei = edge_index.astype(jnp.int32)
    n_dummy = EPT - REAL_EPT
    dummy = (N_NODES
             + jnp.arange(NW * n_dummy, dtype=jnp.int32) % (PAD_N - N_NODES)
             ).reshape(NW, n_dummy)

    def _pad3(a):
        return jnp.concatenate([a.reshape(NW, REAL_EPT), dummy],
                               axis=1).reshape(NW, NCHUNK, K)

    src3 = _pad3(ei[0])
    dst3 = _pad3(ei[1])
    xp = jnp.pad(x, ((0, PAD_N - N_NODES), (0, 0)))
    zeros16 = jnp.zeros((RPS, 16), jnp.float32)
    ones16 = jnp.ones((K, 16), jnp.float32)
    zeros128 = jnp.zeros((RPS, D), jnp.float32)

    h_raw = _tc_mm_raw(xp, W1)
    degp = _sc_degree(dst3, zeros16, ones16)
    h1p, dinv = _tc_scale(h_raw, degp)
    accp1 = _sc_aggregate(h1p, src3, dst3, zeros128)
    h2p = _tc_mm2(accp1, dinv, b1.reshape(1, D), W2)
    accp2 = _sc_aggregate(h2p, src3, dst3, zeros128)
    return _tc_out(accp2, dinv, b2.reshape(1, D))[:N_NODES]

# --- scband reference (transcript-rebuilt; emitter-appended) ---
"""Pipeline reference for scband-gnnmodel-8830452761311 (READ-ONLY COPY).

The authoritative reference and input builder live on the scoring server;
editing this copy changes nothing except your own understanding.
"""

import jax, jax.numpy as jnp
import numpy as np

N_NODES = 10000
N_EDGES = 320000
D_IN = 128
D_HID = 128
D_OUT = 128


def setup_inputs(seed: int = 0) -> dict:
    key = jax.random.key(seed)
    k1, k2, k3, k4, k5, k6 = jax.random.split(key, 6)
    x = jax.random.normal(k1, (N_NODES, D_IN), dtype=jnp.float32)
    edge_index = jax.random.randint(k2, (2, N_EDGES), 0, N_NODES, dtype=jnp.int64)
    W1 = jax.random.normal(k3, (D_IN, D_HID), dtype=jnp.float32) * (1.0 / np.sqrt(D_IN))
    b1 = jnp.zeros((D_HID,), dtype=jnp.float32)
    W2 = jax.random.normal(k4, (D_HID, D_OUT), dtype=jnp.float32) * (1.0 / np.sqrt(D_HID))
    b2 = jnp.zeros((D_OUT,), dtype=jnp.float32)
    return {"x": x, "edge_index": edge_index, "W1": W1, "b1": b1, "W2": W2, "b2": b2}


def _gcn_conv(x, edge_index, W, b):
    # Faithful GCNConv: add self-loops, symmetric normalization, linear transform, scatter-add aggregation.
    num_nodes = x.shape[0]
    loop = jnp.arange(num_nodes, dtype=edge_index.dtype)
    src = jnp.concatenate([edge_index[0], loop])
    dst = jnp.concatenate([edge_index[1], loop])
    # degree computed on destination (col), as in PyG gcn_norm
    deg = jnp.zeros((num_nodes,), dtype=x.dtype).at[dst].add(1.0)
    deg_inv_sqrt = jnp.where(deg > 0, jax.lax.rsqrt(deg), 0.0)
    norm = deg_inv_sqrt[src] * deg_inv_sqrt[dst]
    h = x @ W
    msg = jnp.take(h, src, axis=0) * norm[:, None]
    out = jnp.zeros((num_nodes, h.shape[1]), dtype=h.dtype).at[dst].add(msg)
    return out + b


def reference(x, edge_index, W1, b1, W2, b2):
    h = _gcn_conv(x, edge_index, W1, b1)
    h = jax.nn.relu(h)
    out = _gcn_conv(h, edge_index, W2, b2)
    return out

if __name__ == "__main__":
    import jax
    _d = setup_inputs()
    print(jax.jit(kernel)(*tuple(_d.values())))

</pallas_src>

<mosaic_0001>
#map = affine_map<(d0, d1) -> (0, 0)>
#map1 = affine_map<(d0, d1) -> (0, 0, 0)>
module attributes {stable_mosaic.version = 14 : i64} {
  func.func @agg_kernel(%arg0: i32, %arg1: i32, %arg2: memref<10240x128xf32, #tpu.memory_space<hbm>>, %arg3: memref<32x157x64xi32, #tpu.memory_space<hbm>>, %arg4: memref<32x157x64xi32, #tpu.memory_space<hbm>>, %arg5: memref<640x128xf32, #tpu.memory_space<hbm>>, %arg6: memref<2x10240x128xf32, #tpu.memory_space<hbm>>, %arg7: memref<10240x128xf32, #tpu.memory_space<vmem_shared>>, %arg8: memref<157x64xi32, #tpu.memory_space<vmem>>, %arg9: memref<157x64xi32, #tpu.memory_space<vmem>>, %arg10: memref<64x128xf32, #tpu.memory_space<vmem>>, %arg11: memref<64x128xf32, #tpu.memory_space<vmem>>, %arg12: memref<64x128xf32, #tpu.memory_space<vmem>>, %arg13: memref<!tpu.dma_semaphore, #tpu.memory_space<semaphore_mem>>, %arg14: memref<!tpu.dma_semaphore, #tpu.memory_space<semaphore_mem>>, %arg15: memref<!tpu.dma_semaphore, #tpu.memory_space<semaphore_mem>>, %arg16: memref<!tpu.dma_semaphore, #tpu.memory_space<semaphore_mem>>) attributes {dimension_semantics = [#tpu.dimension_semantics<core_parallel>, #tpu.dimension_semantics<subcore_parallel>], iteration_bounds = array<i64: 2, 16>, scalar_prefetch = 0 : i64, scratch_operands = 10 : i64, tpu.core_type = #tpu.core_type<sc_vector_subcore>, window_params = [{transform_indices = #map}, {transform_indices = #map1}, {transform_indices = #map1}, {transform_indices = #map}, {transform_indices = #map1}]} {
    %mul3A = arith.constant 2 : i32
    %mul3A_0 = arith.muli %arg1, %mul3A : i32
    %add3A = arith.addi %mul3A_0, %arg0 : i32
    %mul3A_1 = arith.constant 640 : i32
    %mul3A_2 = arith.muli %arg1, %mul3A_1 : i32
    %eq3A = arith.constant 0 : i32
    %eq3A_3 = arith.cmpi eq, %arg0, %eq3A : i32
    %convert_element_type3A = arith.extui %eq3A_3 : i1 to i32
    %cond3A = arith.constant 0 : i32
    %cond3A_4 = arith.cmpi ne, %convert_element_type3A, %cond3A : i32
    scf.if %cond3A_4 {
      %dma_start3A_75 = arith.constant 0 : i32
      %dma_start3A_76 = tpu.memref_slice %arg7[%mul3A_2, %dma_start3A_75] : memref<10240x128xf32, #tpu.memory_space<vmem_shared>> -> memref<640x128xf32, #tpu.memory_space<vmem_shared>>
      %dma_start3A_77 = arith.constant 0 : i32
      %dma_start3A_78 = tpu.memref_slice %arg2[%mul3A_2, %dma_start3A_77] : memref<10240x128xf32, #tpu.memory_space<hbm>> -> memref<640x128xf32, #tpu.memory_space<hbm>>
      tpu.enqueue_dma source(%dma_start3A_78 : memref<640x128xf32, #tpu.memory_space<hbm>>) target(%dma_start3A_76 : memref<640x128xf32, #tpu.memory_space<vmem_shared>>) target_semaphore(%arg16 : memref<!tpu.dma_semaphore, #tpu.memory_space<semaphore_mem>>)
    } else {
    }
    %eq3A_5 = arith.constant 1 : i32
    %eq3A_6 = arith.cmpi eq, %arg0, %eq3A_5 : i32
    %convert_element_type3A_7 = arith.extui %eq3A_6 : i1 to i32
    %cond3A_8 = arith.constant 0 : i32
    %cond3A_9 = arith.cmpi ne, %convert_element_type3A_7, %cond3A_8 : i32
    scf.if %cond3A_9 {
      %dma_start3A_75 = arith.constant 0 : i32
      %dma_start3A_76 = tpu.memref_slice %arg7[%mul3A_2, %dma_start3A_75] : memref<10240x128xf32, #tpu.memory_space<vmem_shared>> -> memref<640x128xf32, #tpu.memory_space<vmem_shared>>
      tpu.enqueue_dma source(%arg5 : memref<640x128xf32, #tpu.memory_space<hbm>>) target(%dma_start3A_76 : memref<640x128xf32, #tpu.memory_space<vmem_shared>>) target_semaphore(%arg16 : memref<!tpu.dma_semaphore, #tpu.memory_space<semaphore_mem>>)
    } else {
    }
    %dma_start3A = arith.constant 0 : i32
    %dma_start3A_10 = arith.constant 0 : i32
    %dma_start3A_11 = tpu.memref_slice %arg3[%add3A, %dma_start3A, %dma_start3A_10] : memref<32x157x64xi32, #tpu.memory_space<hbm>> -> memref<1x157x64xi32, #tpu.memory_space<hbm>>
    %dma_start3A_12 = tpu.memref_squeeze %dma_start3A_11 : memref<1x157x64xi32, #tpu.memory_space<hbm>> -> memref<157x64xi32, #tpu.memory_space<hbm>>
    %dma_start3A_13 = arith.constant 0 : i32
    %dma_start3A_14 = arith.constant 0 : i32
    %dma_start3A_15 = tpu.memref_slice %arg3[%add3A, %dma_start3A_13, %dma_start3A_14] : memref<32x157x64xi32, #tpu.memory_space<hbm>> -> memref<1x157x64xi32, #tpu.memory_space<hbm>>
    %dma_start3A_16 = tpu.memref_squeeze %dma_start3A_15 : memref<1x157x64xi32, #tpu.memory_space<hbm>> -> memref<157x64xi32, #tpu.memory_space<hbm>>
    tpu.enqueue_dma source(%dma_start3A_16 : memref<157x64xi32, #tpu.memory_space<hbm>>) target(%arg8 : memref<157x64xi32, #tpu.memory_space<vmem>>) target_semaphore(%arg13 : memref<!tpu.dma_semaphore, #tpu.memory_space<semaphore_mem>>)
    %dma_start3A_17 = arith.constant 0 : i32
    %dma_start3A_18 = arith.constant 0 : i32
    %dma_start3A_19 = tpu.memref_slice %arg4[%add3A, %dma_start3A_17, %dma_start3A_18] : memref<32x157x64xi32, #tpu.memory_space<hbm>> -> memref<1x157x64xi32, #tpu.memory_space<hbm>>
    %dma_start3A_20 = tpu.memref_squeeze %dma_start3A_19 : memref<1x157x64xi32, #tpu.memory_space<hbm>> -> memref<157x64xi32, #tpu.memory_space<hbm>>
    %dma_start3A_21 = arith.constant 0 : i32
    %dma_start3A_22 = arith.constant 0 : i32
    %dma_start3A_23 = tpu.memref_slice %arg4[%add3A, %dma_start3A_21, %dma_start3A_22] : memref<32x157x64xi32, #tpu.memory_space<hbm>> -> memref<1x157x64xi32, #tpu.memory_space<hbm>>
    %dma_start3A_24 = tpu.memref_squeeze %dma_start3A_23 : memref<1x157x64xi32, #tpu.memory_space<hbm>> -> memref<157x64xi32, #tpu.memory_space<hbm>>
    tpu.enqueue_dma source(%dma_start3A_24 : memref<157x64xi32, #tpu.memory_space<hbm>>) target(%arg9 : memref<157x64xi32, #tpu.memory_space<vmem>>) target_semaphore(%arg14 : memref<!tpu.dma_semaphore, #tpu.memory_space<semaphore_mem>>)
    %dma_wait3A = arith.constant 0 : i32
    %dma_wait3A_25 = tpu.memref_slice %arg7[%mul3A_2, %dma_wait3A] : memref<10240x128xf32, #tpu.memory_space<vmem_shared>> -> memref<640x128xf32, #tpu.memory_space<vmem_shared>>
    tpu.wait_dma2 semaphore(%arg16 : memref<!tpu.dma_semaphore, #tpu.memory_space<semaphore_mem>>) src(%arg5 : memref<640x128xf32, #tpu.memory_space<hbm>>) dst(%dma_wait3A_25 : memref<640x128xf32, #tpu.memory_space<vmem_shared>>)
    %dma_wait3A_26 = arith.constant 0 : i32
    %dma_wait3A_27 = arith.constant 0 : i32
    %dma_wait3A_28 = tpu.memref_slice %arg3[%add3A, %dma_wait3A_26, %dma_wait3A_27] : memref<32x157x64xi32, #tpu.memory_space<hbm>> -> memref<1x157x64xi32, #tpu.memory_space<hbm>>
    %dma_wait3A_29 = tpu.memref_squeeze %dma_wait3A_28 : memref<1x157x64xi32, #tpu.memory_space<hbm>> -> memref<157x64xi32, #tpu.memory_space<hbm>>
    %dma_wait3A_30 = arith.constant 0 : i32
    %dma_wait3A_31 = arith.constant 0 : i32
    %dma_wait3A_32 = tpu.memref_slice %arg3[%add3A, %dma_wait3A_30, %dma_wait3A_31] : memref<32x157x64xi32, #tpu.memory_space<hbm>> -> memref<1x157x64xi32, #tpu.memory_space<hbm>>
    %dma_wait3A_33 = tpu.memref_squeeze %dma_wait3A_32 : memref<1x157x64xi32, #tpu.memory_space<hbm>> -> memref<157x64xi32, #tpu.memory_space<hbm>>
    tpu.wait_dma2 semaphore(%arg13 : memref<!tpu.dma_semaphore, #tpu.memory_space<semaphore_mem>>) src(%dma_wait3A_33 : memref<157x64xi32, #tpu.memory_space<hbm>>) dst(%arg8 : memref<157x64xi32, #tpu.memory_space<vmem>>)
    %dma_wait3A_34 = arith.constant 0 : i32
    %dma_wait3A_35 = arith.constant 0 : i32
    %dma_wait3A_36 = tpu.memref_slice %arg4[%add3A, %dma_wait3A_34, %dma_wait3A_35] : memref<32x157x64xi32, #tpu.memory_space<hbm>> -> memref<1x157x64xi32, #tpu.memory_space<hbm>>
    %dma_wait3A_37 = tpu.memref_squeeze %dma_wait3A_36 : memref<1x157x64xi32, #tpu.memory_space<hbm>> -> memref<157x64xi32, #tpu.memory_space<hbm>>
    %dma_wait3A_38 = arith.constant 0 : i32
    %dma_wait3A_39 = arith.constant 0 : i32
    %dma_wait3A_40 = tpu.memref_slice %arg4[%add3A, %dma_wait3A_38, %dma_wait3A_39] : memref<32x157x64xi32, #tpu.memory_space<hbm>> -> memref<1x157x64xi32, #tpu.memory_space<hbm>>
    %dma_wait3A_41 = tpu.memref_squeeze %dma_wait3A_40 : memref<1x157x64xi32, #tpu.memory_space<hbm>> -> memref<157x64xi32, #tpu.memory_space<hbm>>
    tpu.wait_dma2 semaphore(%arg14 : memref<!tpu.dma_semaphore, #tpu.memory_space<semaphore_mem>>) src(%dma_wait3A_41 : memref<157x64xi32, #tpu.memory_space<hbm>>) dst(%arg9 : memref<157x64xi32, #tpu.memory_space<vmem>>)
    %barrier3A = arith.constant 0 : index
    tpu.barrier barrier_id(%barrier3A)
    %dma_start3A_42 = arith.constant 0 : i32
    %dma_start3A_43 = arith.constant 0 : i32
    %dma_start3A_44 = tpu.memref_slice %arg8[%dma_start3A_42, %dma_start3A_43] : memref<157x64xi32, #tpu.memory_space<vmem>> -> memref<1x64xi32, #tpu.memory_space<vmem>>
    %dma_start3A_45 = tpu.memref_squeeze %dma_start3A_44 : memref<1x64xi32, #tpu.memory_space<vmem>> -> memref<64xi32, #tpu.memory_space<vmem>>
    %dma_start3A_46 = arith.constant 0 : i32
    %dma_start3A_47 = arith.constant 0 : i32
    %dma_start3A_48 = tpu.memref_slice %arg2[%dma_start3A_46, %dma_start3A_47] : memref<10240x128xf32, #tpu.memory_space<hbm>> -> memref<10240x128xf32, #tpu.memory_space<hbm>>
    tpu.enqueue_indirect_dma source(%dma_start3A_48 : memref<10240x128xf32, #tpu.memory_space<hbm>>) target(%arg10 : memref<64x128xf32, #tpu.memory_space<vmem>>) offsets(%dma_start3A_45 : memref<64xi32, #tpu.memory_space<vmem>>) semaphore(%arg13 : memref<!tpu.dma_semaphore, #tpu.memory_space<semaphore_mem>>)
    %dma_start3A_49 = arith.constant 1 : i32
    %dma_start3A_50 = arith.constant 0 : i32
    %dma_start3A_51 = tpu.memref_slice %arg8[%dma_start3A_49, %dma_start3A_50] : memref<157x64xi32, #tpu.memory_space<vmem>> -> memref<1x64xi32, #tpu.memory_space<vmem>>
    %dma_start3A_52 = tpu.memref_squeeze %dma_start3A_51 : memref<1x64xi32, #tpu.memory_space<vmem>> -> memref<64xi32, #tpu.memory_space<vmem>>
    %dma_start3A_53 = arith.constant 0 : i32
    %dma_start3A_54 = arith.constant 0 : i32
    %dma_start3A_55 = tpu.memref_slice %arg2[%dma_start3A_53, %dma_start3A_54] : memref<10240x128xf32, #tpu.memory_space<hbm>> -> memref<10240x128xf32, #tpu.memory_space<hbm>>
    tpu.enqueue_indirect_dma source(%dma_start3A_55 : memref<10240x128xf32, #tpu.memory_space<hbm>>) target(%arg11 : memref<64x128xf32, #tpu.memory_space<vmem>>) offsets(%dma_start3A_52 : memref<64xi32, #tpu.memory_space<vmem>>) semaphore(%arg14 : memref<!tpu.dma_semaphore, #tpu.memory_space<semaphore_mem>>)
    %dma_start3A_56 = arith.constant 2 : i32
    %dma_start3A_57 = arith.constant 0 : i32
    %dma_start3A_58 = tpu.memref_slice %arg8[%dma_start3A_56, %dma_start3A_57] : memref<157x64xi32, #tpu.memory_space<vmem>> -> memref<1x64xi32, #tpu.memory_space<vmem>>
    %dma_start3A_59 = tpu.memref_squeeze %dma_start3A_58 : memref<1x64xi32, #tpu.memory_space<vmem>> -> memref<64xi32, #tpu.memory_space<vmem>>
    %dma_start3A_60 = arith.constant 0 : i32
    %dma_start3A_61 = arith.constant 0 : i32
    %dma_start3A_62 = tpu.memref_slice %arg2[%dma_start3A_60, %dma_start3A_61] : memref<10240x128xf32, #tpu.memory_space<hbm>> -> memref<10240x128xf32, #tpu.memory_space<hbm>>
    tpu.enqueue_indirect_dma source(%dma_start3A_62 : memref<10240x128xf32, #tpu.memory_space<hbm>>) target(%arg12 : memref<64x128xf32, #tpu.memory_space<vmem>>) offsets(%dma_start3A_59 : memref<64xi32, #tpu.memory_space<vmem>>) semaphore(%arg15 : memref<!tpu.dma_semaphore, #tpu.memory_space<semaphore_mem>>)
    %scan3A = arith.constant 0 : i32
    %scan3A_63 = arith.constant 52 : i32
    %scan3A_64 = arith.addi %scan3A, %scan3A_63 : i32
    %scan3A_65 = arith.constant 1 : i32
    scf.for %scan3A_75 = %scan3A to %scan3A_64 step %scan3A_65  : i32 {
      %mul3A_76 = arith.constant 3 : i32
      %mul3A_77 = arith.muli %scan3A_75, %mul3A_76 : i32
      %add3A_78 = arith.constant 0 : i32
      %add3A_79 = arith.addi %add3A_78, %mul3A_77 : i32
      %dma_wait3A_80 = arith.constant 0 : i32
      %dma_wait3A_81 = tpu.memref_slice %arg8[%add3A_79, %dma_wait3A_80] : memref<157x64xi32, #tpu.memory_space<vmem>> -> memref<1x64xi32, #tpu.memory_space<vmem>>
      %dma_wait3A_82 = tpu.memref_squeeze %dma_wait3A_81 : memref<1x64xi32, #tpu.memory_space<vmem>> -> memref<64xi32, #tpu.memory_space<vmem>>
      %dma_wait3A_83 = arith.constant 0 : i32
      %dma_wait3A_84 = arith.constant 0 : i32
      %dma_wait3A_85 = tpu.memref_slice %arg2[%dma_wait3A_83, %dma_wait3A_84] : memref<10240x128xf32, #tpu.memory_space<hbm>> -> memref<10240x128xf32, #tpu.memory_space<hbm>>
      tpu.wait_indirect_dma semaphore(%arg13 : memref<!tpu.dma_semaphore, #tpu.memory_space<semaphore_mem>>) src(%dma_wait3A_85 : memref<10240x128xf32, #tpu.memory_space<hbm>>) dst(%arg10 : memref<64x128xf32, #tpu.memory_space<vmem>>)
      "tpu.region"() ({
        %run_scoped3A_127 = tpu.sem_alloc : memref<!tpu.dma_semaphore, #tpu.memory_space<semaphore_mem>>
        %dma_start3A_128 = arith.constant 0 : i32
        %dma_start3A_129 = tpu.memref_slice %arg9[%add3A_79, %dma_start3A_128] : memref<157x64xi32, #tpu.memory_space<vmem>> -> memref<1x64xi32, #tpu.memory_space<vmem>>
        %dma_start3A_130 = tpu.memref_squeeze %dma_start3A_129 : memref<1x64xi32, #tpu.memory_space<vmem>> -> memref<64xi32, #tpu.memory_space<vmem>>
        %dma_start3A_131 = arith.constant 0 : i32
        %dma_start3A_132 = arith.constant 0 : i32
        %dma_start3A_133 = tpu.memref_slice %arg7[%dma_start3A_131, %dma_start3A_132] : memref<10240x128xf32, #tpu.memory_space<vmem_shared>> -> memref<10240x128xf32, #tpu.memory_space<vmem_shared>>
        tpu.enqueue_indirect_dma source(%arg10 : memref<64x128xf32, #tpu.memory_space<vmem>>) target(%dma_start3A_133 : memref<10240x128xf32, #tpu.memory_space<vmem_shared>>) offsets(%dma_start3A_130 : memref<64xi32, #tpu.memory_space<vmem>>) semaphore(%run_scoped3A_127 : memref<!tpu.dma_semaphore, #tpu.memory_space<semaphore_mem>>) {add = true}
        %dma_wait3A_134 = arith.constant 0 : i32
        %dma_wait3A_135 = tpu.memref_slice %arg9[%add3A_79, %dma_wait3A_134] : memref<157x64xi32, #tpu.memory_space<vmem>> -> memref<1x64xi32, #tpu.memory_space<vmem>>
        %dma_wait3A_136 = tpu.memref_squeeze %dma_wait3A_135 : memref<1x64xi32, #tpu.memory_space<vmem>> -> memref<64xi32, #tpu.memory_space<vmem>>
        %dma_wait3A_137 = arith.constant 0 : i32
        %dma_wait3A_138 = arith.constant 0 : i32
        %dma_wait3A_139 = tpu.memref_slice %arg7[%dma_wait3A_137, %dma_wait3A_138] : memref<10240x128xf32, #tpu.memory_space<vmem_shared>> -> memref<10240x128xf32, #tpu.memory_space<vmem_shared>>
        tpu.wait_indirect_dma semaphore(%run_scoped3A_127 : memref<!tpu.dma_semaphore, #tpu.memory_space<semaphore_mem>>) src(%arg10 : memref<64x128xf32, #tpu.memory_space<vmem>>) dst(%dma_wait3A_139 : memref<10240x128xf32, #tpu.memory_space<vmem_shared>>)
        tpu.yield
      }) : () -> ()
      %add3A_86 = arith.constant 3 : i32
      %add3A_87 = arith.addi %add3A_79, %add3A_86 : i32
      %dma_start3A_88 = arith.constant 0 : i32
      %dma_start3A_89 = tpu.memref_slice %arg8[%add3A_87, %dma_start3A_88] : memref<157x64xi32, #tpu.memory_space<vmem>> -> memref<1x64xi32, #tpu.memory_space<vmem>>
      %dma_start3A_90 = tpu.memref_squeeze %dma_start3A_89 : memref<1x64xi32, #tpu.memory_space<vmem>> -> memref<64xi32, #tpu.memory_space<vmem>>
      %dma_start3A_91 = arith.constant 0 : i32
      %dma_start3A_92 = arith.constant 0 : i32
      %dma_start3A_93 = tpu.memref_slice %arg2[%dma_start3A_91, %dma_start3A_92] : memref<10240x128xf32, #tpu.memory_space<hbm>> -> memref<10240x128xf32, #tpu.memory_space<hbm>>
      tpu.enqueue_indirect_dma source(%dma_start3A_93 : memref<10240x128xf32, #tpu.memory_space<hbm>>) target(%arg10 : memref<64x128xf32, #tpu.memory_space<vmem>>) offsets(%dma_start3A_90 : memref<64xi32, #tpu.memory_space<vmem>>) semaphore(%arg13 : memref<!tpu.dma_semaphore, #tpu.memory_space<semaphore_mem>>)
      %add3A_94 = arith.constant 1 : i32
      %add3A_95 = arith.addi %add3A_79, %add3A_94 : i32
      %dma_wait3A_96 = arith.constant 0 : i32
      %dma_wait3A_97 = tpu.memref_slice %arg8[%add3A_95, %dma_wait3A_96] : memref<157x64xi32, #tpu.memory_space<vmem>> -> memref<1x64xi32, #tpu.memory_space<vmem>>
      %dma_wait3A_98 = tpu.memref_squeeze %dma_wait3A_97 : memref<1x64xi32, #tpu.memory_space<vmem>> -> memref<64xi32, #tpu.memory_space<vmem>>
      %dma_wait3A_99 = arith.constant 0 : i32
      %dma_wait3A_100 = arith.constant 0 : i32
      %dma_wait3A_101 = tpu.memref_slice %arg2[%dma_wait3A_99, %dma_wait3A_100] : memref<10240x128xf32, #tpu.memory_space<hbm>> -> memref<10240x128xf32, #tpu.memory_space<hbm>>
      tpu.wait_indirect_dma semaphore(%arg14 : memref<!tpu.dma_semaphore, #tpu.memory_space<semaphore_mem>>) src(%dma_wait3A_101 : memref<10240x128xf32, #tpu.memory_space<hbm>>) dst(%arg11 : memref<64x128xf32, #tpu.memory_space<vmem>>)
      %add3A_102 = arith.constant 1 : i32
      %add3A_103 = arith.addi %add3A_79, %add3A_102 : i32
      "tpu.region"() ({
        %run_scoped3A_127 = tpu.sem_alloc : memref<!tpu.dma_semaphore, #tpu.memory_space<semaphore_mem>>
        %dma_start3A_128 = arith.constant 0 : i32
        %dma_start3A_129 = tpu.memref_slice %arg9[%add3A_103, %dma_start3A_128] : memref<157x64xi32, #tpu.memory_space<vmem>> -> memref<1x64xi32, #tpu.memory_space<vmem>>
        %dma_start3A_130 = tpu.memref_squeeze %dma_start3A_129 : memref<1x64xi32, #tpu.memory_space<vmem>> -> memref<64xi32, #tpu.memory_space<vmem>>
        %dma_start3A_131 = arith.constant 0 : i32
        %dma_start3A_132 = arith.constant 0 : i32
        %dma_start3A_133 = tpu.memref_slice %arg7[%dma_start3A_131, %dma_start3A_132] : memref<10240x128xf32, #tpu.memory_space<vmem_shared>> -> memref<10240x128xf32, #tpu.memory_space<vmem_shared>>
        tpu.enqueue_indirect_dma source(%arg11 : memref<64x128xf32, #tpu.memory_space<vmem>>) target(%dma_start3A_133 : memref<10240x128xf32, #tpu.memory_space<vmem_shared>>) offsets(%dma_start3A_130 : memref<64xi32, #tpu.memory_space<vmem>>) semaphore(%run_scoped3A_127 : memref<!tpu.dma_semaphore, #tpu.memory_space<semaphore_mem>>) {add = true}
        %dma_wait3A_134 = arith.constant 0 : i32
        %dma_wait3A_135 = tpu.memref_slice %arg9[%add3A_103, %dma_wait3A_134] : memref<157x64xi32, #tpu.memory_space<vmem>> -> memref<1x64xi32, #tpu.memory_space<vmem>>
        %dma_wait3A_136 = tpu.memref_squeeze %dma_wait3A_135 : memref<1x64xi32, #tpu.memory_space<vmem>> -> memref<64xi32, #tpu.memory_space<vmem>>
        %dma_wait3A_137 = arith.constant 0 : i32
        %dma_wait3A_138 = arith.constant 0 : i32
        %dma_wait3A_139 = tpu.memref_slice %arg7[%dma_wait3A_137, %dma_wait3A_138] : memref<10240x128xf32, #tpu.memory_space<vmem_shared>> -> memref<10240x128xf32, #tpu.memory_space<vmem_shared>>
        tpu.wait_indirect_dma semaphore(%run_scoped3A_127 : memref<!tpu.dma_semaphore, #tpu.memory_space<semaphore_mem>>) src(%arg11 : memref<64x128xf32, #tpu.memory_space<vmem>>) dst(%dma_wait3A_139 : memref<10240x128xf32, #tpu.memory_space<vmem_shared>>)
        tpu.yield
      }) : () -> ()
      %add3A_104 = arith.constant 4 : i32
      %add3A_105 = arith.addi %add3A_79, %add3A_104 : i32
      %lt3A = arith.constant 157 : i32
      %lt3A_106 = arith.cmpi slt, %add3A_105, %lt3A : i32
      %convert_element_type3A_107 = arith.extui %lt3A_106 : i1 to i32
      %cond3A_108 = arith.constant 0 : i32
      %cond3A_109 = arith.cmpi ne, %convert_element_type3A_107, %cond3A_108 : i32
      scf.if %cond3A_109 {
        %add3A_127 = arith.constant 4 : i32
        %add3A_128 = arith.addi %add3A_79, %add3A_127 : i32
        %dma_start3A_129 = arith.constant 0 : i32
        %dma_start3A_130 = tpu.memref_slice %arg8[%add3A_128, %dma_start3A_129] : memref<157x64xi32, #tpu.memory_space<vmem>> -> memref<1x64xi32, #tpu.memory_space<vmem>>
        %dma_start3A_131 = tpu.memref_squeeze %dma_start3A_130 : memref<1x64xi32, #tpu.memory_space<vmem>> -> memref<64xi32, #tpu.memory_space<vmem>>
        %dma_start3A_132 = arith.constant 0 : i32
        %dma_start3A_133 = arith.constant 0 : i32
        %dma_start3A_134 = tpu.memref_slice %arg2[%dma_start3A_132, %dma_start3A_133] : memref<10240x128xf32, #tpu.memory_space<hbm>> -> memref<10240x128xf32, #tpu.memory_space<hbm>>
        tpu.enqueue_indirect_dma source(%dma_start3A_134 : memref<10240x128xf32, #tpu.memory_space<hbm>>) target(%arg11 : memref<64x128xf32, #tpu.memory_space<vmem>>) offsets(%dma_start3A_131 : memref<64xi32, #tpu.memory_space<vmem>>) semaphore(%arg14 : memref<!tpu.dma_semaphore, #tpu.memory_space<semaphore_mem>>)
      } else {
      }
      %add3A_110 = arith.constant 2 : i32
      %add3A_111 = arith.addi %add3A_79, %add3A_110 : i32
      %dma_wait3A_112 = arith.constant 0 : i32
      %dma_wait3A_113 = tpu.memref_slice %arg8[%add3A_111, %dma_wait3A_112] : memref<157x64xi32, #tpu.memory_space<vmem>> -> memref<1x64xi32, #tpu.memory_space<vmem>>
      %dma_wait3A_114 = tpu.memref_squeeze %dma_wait3A_113 : memref<1x64xi32, #tpu.memory_space<vmem>> -> memref<64xi32, #tpu.memory_space<vmem>>
      %dma_wait3A_115 = arith.constant 0 : i32
      %dma_wait3A_116 = arith.constant 0 : i32
      %dma_wait3A_117 = tpu.memref_slice %arg2[%dma_wait3A_115, %dma_wait3A_116] : memref<10240x128xf32, #tpu.memory_space<hbm>> -> memref<10240x128xf32, #tpu.memory_space<hbm>>
      tpu.wait_indirect_dma semaphore(%arg15 : memref<!tpu.dma_semaphore, #tpu.memory_space<semaphore_mem>>) src(%dma_wait3A_117 : memref<10240x128xf32, #tpu.memory_space<hbm>>) dst(%arg12 : memref<64x128xf32, #tpu.memory_space<vmem>>)
      %add3A_118 = arith.constant 2 : i32
      %add3A_119 = arith.addi %add3A_79, %add3A_118 : i32
      "tpu.region"() ({
        %run_scoped3A_127 = tpu.sem_alloc : memref<!tpu.dma_semaphore, #tpu.memory_space<semaphore_mem>>
        %dma_start3A_128 = arith.constant 0 : i32
        %dma_start3A_129 = tpu.memref_slice %arg9[%add3A_119, %dma_start3A_128] : memref<157x64xi32, #tpu.memory_space<vmem>> -> memref<1x64xi32, #tpu.memory_space<vmem>>
        %dma_start3A_130 = tpu.memref_squeeze %dma_start3A_129 : memref<1x64xi32, #tpu.memory_space<vmem>> -> memref<64xi32, #tpu.memory_space<vmem>>
        %dma_start3A_131 = arith.constant 0 : i32
        %dma_start3A_132 = arith.constant 0 : i32
        %dma_start3A_133 = tpu.memref_slice %arg7[%dma_start3A_131, %dma_start3A_132] : memref<10240x128xf32, #tpu.memory_space<vmem_shared>> -> memref<10240x128xf32, #tpu.memory_space<vmem_shared>>
        tpu.enqueue_indirect_dma source(%arg12 : memref<64x128xf32, #tpu.memory_space<vmem>>) target(%dma_start3A_133 : memref<10240x128xf32, #tpu.memory_space<vmem_shared>>) offsets(%dma_start3A_130 : memref<64xi32, #tpu.memory_space<vmem>>) semaphore(%run_scoped3A_127 : memref<!tpu.dma_semaphore, #tpu.memory_space<semaphore_mem>>) {add = true}
        %dma_wait3A_134 = arith.constant 0 : i32
        %dma_wait3A_135 = tpu.memref_slice %arg9[%add3A_119, %dma_wait3A_134] : memref<157x64xi32, #tpu.memory_space<vmem>> -> memref<1x64xi32, #tpu.memory_space<vmem>>
        %dma_wait3A_136 = tpu.memref_squeeze %dma_wait3A_135 : memref<1x64xi32, #tpu.memory_space<vmem>> -> memref<64xi32, #tpu.memory_space<vmem>>
        %dma_wait3A_137 = arith.constant 0 : i32
        %dma_wait3A_138 = arith.constant 0 : i32
        %dma_wait3A_139 = tpu.memref_slice %arg7[%dma_wait3A_137, %dma_wait3A_138] : memref<10240x128xf32, #tpu.memory_space<vmem_shared>> -> memref<10240x128xf32, #tpu.memory_space<vmem_shared>>
        tpu.wait_indirect_dma semaphore(%run_scoped3A_127 : memref<!tpu.dma_semaphore, #tpu.memory_space<semaphore_mem>>) src(%arg12 : memref<64x128xf32, #tpu.memory_space<vmem>>) dst(%dma_wait3A_139 : memref<10240x128xf32, #tpu.memory_space<vmem_shared>>)
        tpu.yield
      }) : () -> ()
      %add3A_120 = arith.constant 5 : i32
      %add3A_121 = arith.addi %add3A_79, %add3A_120 : i32
      %lt3A_122 = arith.constant 157 : i32
      %lt3A_123 = arith.cmpi slt, %add3A_121, %lt3A_122 : i32
      %convert_element_type3A_124 = arith.extui %lt3A_123 : i1 to i32
      %cond3A_125 = arith.constant 0 : i32
      %cond3A_126 = arith.cmpi ne, %convert_element_type3A_124, %cond3A_125 : i32
      scf.if %cond3A_126 {
        %add3A_127 = arith.constant 5 : i32
        %add3A_128 = arith.addi %add3A_79, %add3A_127 : i32
        %dma_start3A_129 = arith.constant 0 : i32
        %dma_start3A_130 = tpu.memref_slice %arg8[%add3A_128, %dma_start3A_129] : memref<157x64xi32, #tpu.memory_space<vmem>> -> memref<1x64xi32, #tpu.memory_space<vmem>>
        %dma_start3A_131 = tpu.memref_squeeze %dma_start3A_130 : memref<1x64xi32, #tpu.memory_space<vmem>> -> memref<64xi32, #tpu.memory_space<vmem>>
        %dma_start3A_132 = arith.constant 0 : i32
        %dma_start3A_133 = arith.constant 0 : i32
        %dma_start3A_134 = tpu.memref_slice %arg2[%dma_start3A_132, %dma_start3A_133] : memref<10240x128xf32, #tpu.memory_space<hbm>> -> memref<10240x128xf32, #tpu.memory_space<hbm>>
        tpu.enqueue_indirect_dma source(%dma_start3A_134 : memref<10240x128xf32, #tpu.memory_space<hbm>>) target(%arg12 : memref<64x128xf32, #tpu.memory_space<vmem>>) offsets(%dma_start3A_131 : memref<64xi32, #tpu.memory_space<vmem>>) semaphore(%arg15 : memref<!tpu.dma_semaphore, #tpu.memory_space<semaphore_mem>>)
      } else {
      }
    }
    %scan3A_66 = arith.constant 52 : i32
    %dma_wait3A_67 = arith.constant 156 : i32
    %dma_wait3A_68 = arith.constant 0 : i32
    %dma_wait3A_69 = tpu.memref_slice %arg8[%dma_wait3A_67, %dma_wait3A_68] : memref<157x64xi32, #tpu.memory_space<vmem>> -> memref<1x64xi32, #tpu.memory_space<vmem>>
    %dma_wait3A_70 = tpu.memref_squeeze %dma_wait3A_69 : memref<1x64xi32, #tpu.memory_space<vmem>> -> memref<64xi32, #tpu.memory_space<vmem>>
    %dma_wait3A_71 = arith.constant 0 : i32
    %dma_wait3A_72 = arith.constant 0 : i32
    %dma_wait3A_73 = tpu.memref_slice %arg2[%dma_wait3A_71, %dma_wait3A_72] : memref<10240x128xf32, #tpu.memory_space<hbm>> -> memref<10240x128xf32, #tpu.memory_space<hbm>>
    tpu.wait_indirect_dma semaphore(%arg13 : memref<!tpu.dma_semaphore, #tpu.memory_space<semaphore_mem>>) src(%dma_wait3A_73 : memref<10240x128xf32, #tpu.memory_space<hbm>>) dst(%arg10 : memref<64x128xf32, #tpu.memory_space<vmem>>)
    %run_scoped3A = arith.constant 156 : i32
    "tpu.region"() ({
      %run_scoped3A_75 = tpu.sem_alloc : memref<!tpu.dma_semaphore, #tpu.memory_space<semaphore_mem>>
      %dma_start3A_76 = arith.constant 0 : i32
      %dma_start3A_77 = tpu.memref_slice %arg9[%run_scoped3A, %dma_start3A_76] : memref<157x64xi32, #tpu.memory_space<vmem>> -> memref<1x64xi32, #tpu.memory_space<vmem>>
      %dma_start3A_78 = tpu.memref_squeeze %dma_start3A_77 : memref<1x64xi32, #tpu.memory_space<vmem>> -> memref<64xi32, #tpu.memory_space<vmem>>
      %dma_start3A_79 = arith.constant 0 : i32
      %dma_start3A_80 = arith.constant 0 : i32
      %dma_start3A_81 = tpu.memref_slice %arg7[%dma_start3A_79, %dma_start3A_80] : memref<10240x128xf32, #tpu.memory_space<vmem_shared>> -> memref<10240x128xf32, #tpu.memory_space<vmem_shared>>
      tpu.enqueue_indirect_dma source(%arg10 : memref<64x128xf32, #tpu.memory_space<vmem>>) target(%dma_start3A_81 : memref<10240x128xf32, #tpu.memory_space<vmem_shared>>) offsets(%dma_start3A_78 : memref<64xi32, #tpu.memory_space<vmem>>) semaphore(%run_scoped3A_75 : memref<!tpu.dma_semaphore, #tpu.memory_space<semaphore_mem>>) {add = true}
      %dma_wait3A_82 = arith.constant 0 : i32
      %dma_wait3A_83 = tpu.memref_slice %arg9[%run_scoped3A, %dma_wait3A_82] : memref<157x64xi32, #tpu.memory_space<vmem>> -> memref<1x64xi32, #tpu.memory_space<vmem>>
      %dma_wait3A_84 = tpu.memref_squeeze %dma_wait3A_83 : memref<1x64xi32, #tpu.memory_space<vmem>> -> memref<64xi32, #tpu.memory_space<vmem>>
      %dma_wait3A_85 = arith.constant 0 : i32
      %dma_wait3A_86 = arith.constant 0 : i32
      %dma_wait3A_87 = tpu.memref_slice %arg7[%dma_wait3A_85, %dma_wait3A_86] : memref<10240x128xf32, #tpu.memory_space<vmem_shared>> -> memref<10240x128xf32, #tpu.memory_space<vmem_shared>>
      tpu.wait_indirect_dma semaphore(%run_scoped3A_75 : memref<!tpu.dma_semaphore, #tpu.memory_space<semaphore_mem>>) src(%arg10 : memref<64x128xf32, #tpu.memory_space<vmem>>) dst(%dma_wait3A_87 : memref<10240x128xf32, #tpu.memory_space<vmem_shared>>)
      tpu.yield
    }) : () -> ()
    %barrier3A_74 = arith.constant 0 : index
    tpu.barrier barrier_id(%barrier3A_74)
    "tpu.region"() ({
      %run_scoped3A_75 = tpu.sem_alloc : memref<!tpu.dma_semaphore, #tpu.memory_space<semaphore_mem>>
      %dma_start3A_76 = arith.constant 0 : i32
      %dma_start3A_77 = arith.constant 0 : i32
      %dma_start3A_78 = tpu.memref_slice %arg6[%arg0, %dma_start3A_76, %dma_start3A_77] : memref<2x10240x128xf32, #tpu.memory_space<hbm>> -> memref<1x10240x128xf32, #tpu.memory_space<hbm>>
      %dma_start3A_79 = tpu.memref_squeeze %dma_start3A_78 : memref<1x10240x128xf32, #tpu.memory_space<hbm>> -> memref<10240x128xf32, #tpu.memory_space<hbm>>
      %dma_start3A_80 = arith.constant 0 : i32
      %dma_start3A_81 = tpu.memref_slice %dma_start3A_79[%mul3A_2, %dma_start3A_80] : memref<10240x128xf32, #tpu.memory_space<hbm>> -> memref<640x128xf32, #tpu.memory_space<hbm>>
      %dma_start3A_82 = arith.constant 0 : i32
      %dma_start3A_83 = tpu.memref_slice %arg7[%mul3A_2, %dma_start3A_82] : memref<10240x128xf32, #tpu.memory_space<vmem_shared>> -> memref<640x128xf32, #tpu.memory_space<vmem_shared>>
      tpu.enqueue_dma source(%dma_start3A_83 : memref<640x128xf32, #tpu.memory_space<vmem_shared>>) target(%dma_start3A_81 : memref<640x128xf32, #tpu.memory_space<hbm>>) target_semaphore(%run_scoped3A_75 : memref<!tpu.dma_semaphore, #tpu.memory_space<semaphore_mem>>)
      %dma_wait3A_84 = arith.constant 0 : i32
      %dma_wait3A_85 = arith.constant 0 : i32
      %dma_wait3A_86 = tpu.memref_slice %arg6[%arg0, %dma_wait3A_84, %dma_wait3A_85] : memref<2x10240x128xf32, #tpu.memory_space<hbm>> -> memref<1x10240x128xf32, #tpu.memory_space<hbm>>
      %dma_wait3A_87 = tpu.memref_squeeze %dma_wait3A_86 : memref<1x10240x128xf32, #tpu.memory_space<hbm>> -> memref<10240x128xf32, #tpu.memory_space<hbm>>
      %dma_wait3A_88 = arith.constant 0 : i32
      %dma_wait3A_89 = tpu.memref_slice %dma_wait3A_87[%mul3A_2, %dma_wait3A_88] : memref<10240x128xf32, #tpu.memory_space<hbm>> -> memref<640x128xf32, #tpu.memory_space<hbm>>
      %dma_wait3A_90 = arith.constant 0 : i32
      %dma_wait3A_91 = tpu.memref_slice %arg7[%mul3A_2, %dma_wait3A_90] : memref<10240x128xf32, #tpu.memory_space<vmem_shared>> -> memref<640x128xf32, #tpu.memory_space<vmem_shared>>
      tpu.wait_dma2 semaphore(%run_scoped3A_75 : memref<!tpu.dma_semaphore, #tpu.memory_space<semaphore_mem>>) src(%dma_wait3A_91 : memref<640x128xf32, #tpu.memory_space<vmem_shared>>) dst(%dma_wait3A_89 : memref<640x128xf32, #tpu.memory_space<hbm>>)
      tpu.yield
    }) : () -> ()
    return
  }
}

#map = affine_map<(d0, d1) -> (0, 0, 0)>
#map1 = affine_map<(d0, d1) -> (0, 0)>
module attributes {stable_mosaic.version = 14 : i64} {
  func.func @deg_kernel(%arg0: i32, %arg1: i32, %arg2: memref<32x157x64xi32, #tpu.memory_space<hbm>>, %arg3: memref<640x16xf32, #tpu.memory_space<hbm>>, %arg4: memref<64x16xf32, #tpu.memory_space<hbm>>, %arg5: memref<2x10240x16xf32, #tpu.memory_space<hbm>>, %arg6: memref<10240x16xf32, #tpu.memory_space<vmem_shared>>, %arg7: memref<157x64xi32, #tpu.memory_space<vmem>>, %arg8: memref<64x16xf32, #tpu.memory_space<vmem>>) attributes {dimension_semantics = [#tpu.dimension_semantics<core_parallel>, #tpu.dimension_semantics<subcore_parallel>], iteration_bounds = array<i64: 2, 16>, scalar_prefetch = 0 : i64, scratch_operands = 3 : i64, tpu.core_type = #tpu.core_type<sc_vector_subcore>, window_params = [{transform_indices = #map}, {transform_indices = #map1}, {transform_indices = #map1}, {transform_indices = #map}]} {
    %mul3A = arith.constant 2 : i32
    %mul3A_0 = arith.muli %arg1, %mul3A : i32
    %add3A = arith.addi %mul3A_0, %arg0 : i32
    %mul3A_1 = arith.constant 640 : i32
    %mul3A_2 = arith.muli %arg1, %mul3A_1 : i32
    "tpu.region"() ({
      %run_scoped3A = tpu.sem_alloc : memref<!tpu.dma_semaphore, #tpu.memory_space<semaphore_mem>>
      %dma_start3A = arith.constant 0 : i32
      %dma_start3A_12 = tpu.memref_slice %arg6[%mul3A_2, %dma_start3A] : memref<10240x16xf32, #tpu.memory_space<vmem_shared>> -> memref<640x16xf32, #tpu.memory_space<vmem_shared>>
      tpu.enqueue_dma source(%arg3 : memref<640x16xf32, #tpu.memory_space<hbm>>) target(%dma_start3A_12 : memref<640x16xf32, #tpu.memory_space<vmem_shared>>) target_semaphore(%run_scoped3A : memref<!tpu.dma_semaphore, #tpu.memory_space<semaphore_mem>>)
      %dma_wait3A = arith.constant 0 : i32
      %dma_wait3A_13 = tpu.memref_slice %arg6[%mul3A_2, %dma_wait3A] : memref<10240x16xf32, #tpu.memory_space<vmem_shared>> -> memref<640x16xf32, #tpu.memory_space<vmem_shared>>
      tpu.wait_dma2 semaphore(%run_scoped3A : memref<!tpu.dma_semaphore, #tpu.memory_space<semaphore_mem>>) src(%arg3 : memref<640x16xf32, #tpu.memory_space<hbm>>) dst(%dma_wait3A_13 : memref<640x16xf32, #tpu.memory_space<vmem_shared>>)
      tpu.yield
    }) : () -> ()
    "tpu.region"() ({
      %run_scoped3A = tpu.sem_alloc : memref<!tpu.dma_semaphore, #tpu.memory_space<semaphore_mem>>
      %dma_start3A = arith.constant 0 : i32
      %dma_start3A_12 = arith.constant 0 : i32
      %dma_start3A_13 = tpu.memref_slice %arg2[%add3A, %dma_start3A, %dma_start3A_12] : memref<32x157x64xi32, #tpu.memory_space<hbm>> -> memref<1x157x64xi32, #tpu.memory_space<hbm>>
      %dma_start3A_14 = tpu.memref_squeeze %dma_start3A_13 : memref<1x157x64xi32, #tpu.memory_space<hbm>> -> memref<157x64xi32, #tpu.memory_space<hbm>>
      %dma_start3A_15 = arith.constant 0 : i32
      %dma_start3A_16 = arith.constant 0 : i32
      %dma_start3A_17 = tpu.memref_slice %arg2[%add3A, %dma_start3A_15, %dma_start3A_16] : memref<32x157x64xi32, #tpu.memory_space<hbm>> -> memref<1x157x64xi32, #tpu.memory_space<hbm>>
      %dma_start3A_18 = tpu.memref_squeeze %dma_start3A_17 : memref<1x157x64xi32, #tpu.memory_space<hbm>> -> memref<157x64xi32, #tpu.memory_space<hbm>>
      tpu.enqueue_dma source(%dma_start3A_18 : memref<157x64xi32, #tpu.memory_space<hbm>>) target(%arg7 : memref<157x64xi32, #tpu.memory_space<vmem>>) target_semaphore(%run_scoped3A : memref<!tpu.dma_semaphore, #tpu.memory_space<semaphore_mem>>)
      %dma_wait3A = arith.constant 0 : i32
      %dma_wait3A_19 = arith.constant 0 : i32
      %dma_wait3A_20 = tpu.memref_slice %arg2[%add3A, %dma_wait3A, %dma_wait3A_19] : memref<32x157x64xi32, #tpu.memory_space<hbm>> -> memref<1x157x64xi32, #tpu.memory_space<hbm>>
      %dma_wait3A_21 = tpu.memref_squeeze %dma_wait3A_20 : memref<1x157x64xi32, #tpu.memory_space<hbm>> -> memref<157x64xi32, #tpu.memory_space<hbm>>
      %dma_wait3A_22 = arith.constant 0 : i32
      %dma_wait3A_23 = arith.constant 0 : i32
      %dma_wait3A_24 = tpu.memref_slice %arg2[%add3A, %dma_wait3A_22, %dma_wait3A_23] : memref<32x157x64xi32, #tpu.memory_space<hbm>> -> memref<1x157x64xi32, #tpu.memory_space<hbm>>
      %dma_wait3A_25 = tpu.memref_squeeze %dma_wait3A_24 : memref<1x157x64xi32, #tpu.memory_space<hbm>> -> memref<157x64xi32, #tpu.memory_space<hbm>>
      tpu.wait_dma2 semaphore(%run_scoped3A : memref<!tpu.dma_semaphore, #tpu.memory_space<semaphore_mem>>) src(%dma_wait3A_25 : memref<157x64xi32, #tpu.memory_space<hbm>>) dst(%arg7 : memref<157x64xi32, #tpu.memory_space<vmem>>)
      tpu.yield
    }) : () -> ()
    "tpu.region"() ({
      %run_scoped3A = tpu.sem_alloc : memref<!tpu.dma_semaphore, #tpu.memory_space<semaphore_mem>>
      tpu.enqueue_dma source(%arg4 : memref<64x16xf32, #tpu.memory_space<hbm>>) target(%arg8 : memref<64x16xf32, #tpu.memory_space<vmem>>) target_semaphore(%run_scoped3A : memref<!tpu.dma_semaphore, #tpu.memory_space<semaphore_mem>>)
      tpu.wait_dma2 semaphore(%run_scoped3A : memref<!tpu.dma_semaphore, #tpu.memory_space<semaphore_mem>>) src(%arg4 : memref<64x16xf32, #tpu.memory_space<hbm>>) dst(%arg8 : memref<64x16xf32, #tpu.memory_space<vmem>>)
      tpu.yield
    }) : () -> ()
    %barrier3A = arith.constant 0 : index
    tpu.barrier barrier_id(%barrier3A)
    %scan3A = arith.constant 0 : i32
    %scan3A_3 = arith.constant 157 : i32
    %scan3A_4 = arith.addi %scan3A, %scan3A_3 : i32
    %scan3A_5 = arith.constant 1 : i32
    scf.for %scan3A_12 = %scan3A to %scan3A_4 step %scan3A_5  : i32 {
      %mul3A_13 = arith.constant 1 : i32
      %mul3A_14 = arith.muli %scan3A_12, %mul3A_13 : i32
      %add3A_15 = arith.constant 0 : i32
      %add3A_16 = arith.addi %add3A_15, %mul3A_14 : i32
      "tpu.region"() ({
        %run_scoped3A = tpu.sem_alloc : memref<!tpu.dma_semaphore, #tpu.memory_space<semaphore_mem>>
        %dma_start3A = arith.constant 0 : i32
        %dma_start3A_17 = tpu.memref_slice %arg7[%add3A_16, %dma_start3A] : memref<157x64xi32, #tpu.memory_space<vmem>> -> memref<1x64xi32, #tpu.memory_space<vmem>>
        %dma_start3A_18 = tpu.memref_squeeze %dma_start3A_17 : memref<1x64xi32, #tpu.memory_space<vmem>> -> memref<64xi32, #tpu.memory_space<vmem>>
        %dma_start3A_19 = arith.constant 0 : i32
        %dma_start3A_20 = arith.constant 0 : i32
        %dma_start3A_21 = tpu.memref_slice %arg6[%dma_start3A_19, %dma_start3A_20] : memref<10240x16xf32, #tpu.memory_space<vmem_shared>> -> memref<10240x16xf32, #tpu.memory_space<vmem_shared>>
        tpu.enqueue_indirect_dma source(%arg8 : memref<64x16xf32, #tpu.memory_space<vmem>>) target(%dma_start3A_21 : memref<10240x16xf32, #tpu.memory_space<vmem_shared>>) offsets(%dma_start3A_18 : memref<64xi32, #tpu.memory_space<vmem>>) semaphore(%run_scoped3A : memref<!tpu.dma_semaphore, #tpu.memory_space<semaphore_mem>>) {add = true}
        %dma_wait3A = arith.constant 0 : i32
        %dma_wait3A_22 = tpu.memref_slice %arg7[%add3A_16, %dma_wait3A] : memref<157x64xi32, #tpu.memory_space<vmem>> -> memref<1x64xi32, #tpu.memory_space<vmem>>
        %dma_wait3A_23 = tpu.memref_squeeze %dma_wait3A_22 : memref<1x64xi32, #tpu.memory_space<vmem>> -> memref<64xi32, #tpu.memory_space<vmem>>
        %dma_wait3A_24 = arith.constant 0 : i32
        %dma_wait3A_25 = arith.constant 0 : i32
        %dma_wait3A_26 = tpu.memref_slice %arg6[%dma_wait3A_24, %dma_wait3A_25] : memref<10240x16xf32, #tpu.memory_space<vmem_shared>> -> memref<10240x16xf32, #tpu.memory_space<vmem_shared>>
        tpu.wait_indirect_dma semaphore(%run_scoped3A : memref<!tpu.dma_semaphore, #tpu.memory_space<semaphore_mem>>) src(%arg8 : memref<64x16xf32, #tpu.memory_space<vmem>>) dst(%dma_wait3A_26 : memref<10240x16xf32, #tpu.memory_space<vmem_shared>>)
        tpu.yield
      }) : () -> ()
    }
    %scan3A_6 = arith.constant 157 : i32
    %barrier3A_7 = arith.constant 0 : index
    tpu.barrier barrier_id(%barrier3A_7)
    %mul3A_8 = arith.constant 640 : i32
    %mul3A_9 = arith.muli %arg1, %mul3A_8 : i32
    %mul3A_10 = arith.constant 640 : i32
    %mul3A_11 = arith.muli %arg1, %mul3A_10 : i32
    "tpu.region"() ({
      %run_scoped3A = tpu.sem_alloc : memref<!tpu.dma_semaphore, #tpu.memory_space<semaphore_mem>>
      %dma_start3A = arith.constant 0 : i32
      %dma_start3A_12 = arith.constant 0 : i32
      %dma_start3A_13 = tpu.memref_slice %arg5[%arg0, %dma_start3A, %dma_start3A_12] : memref<2x10240x16xf32, #tpu.memory_space<hbm>> -> memref<1x10240x16xf32, #tpu.memory_space<hbm>>
      %dma_start3A_14 = tpu.memref_squeeze %dma_start3A_13 : memref<1x10240x16xf32, #tpu.memory_space<hbm>> -> memref<10240x16xf32, #tpu.memory_space<hbm>>
      %dma_start3A_15 = arith.constant 0 : i32
      %dma_start3A_16 = tpu.memref_slice %dma_start3A_14[%mul3A_11, %dma_start3A_15] : memref<10240x16xf32, #tpu.memory_space<hbm>> -> memref<640x16xf32, #tpu.memory_space<hbm>>
      %dma_start3A_17 = arith.constant 0 : i32
      %dma_start3A_18 = tpu.memref_slice %arg6[%mul3A_9, %dma_start3A_17] : memref<10240x16xf32, #tpu.memory_space<vmem_shared>> -> memref<640x16xf32, #tpu.memory_space<vmem_shared>>
      tpu.enqueue_dma source(%dma_start3A_18 : memref<640x16xf32, #tpu.memory_space<vmem_shared>>) target(%dma_start3A_16 : memref<640x16xf32, #tpu.memory_space<hbm>>) target_semaphore(%run_scoped3A : memref<!tpu.dma_semaphore, #tpu.memory_space<semaphore_mem>>)
      %dma_wait3A = arith.constant 0 : i32
      %dma_wait3A_19 = arith.constant 0 : i32
      %dma_wait3A_20 = tpu.memref_slice %arg5[%arg0, %dma_wait3A, %dma_wait3A_19] : memref<2x10240x16xf32, #tpu.memory_space<hbm>> -> memref<1x10240x16xf32, #tpu.memory_space<hbm>>
      %dma_wait3A_21 = tpu.memref_squeeze %dma_wait3A_20 : memref<1x10240x16xf32, #tpu.memory_space<hbm>> -> memref<10240x16xf32, #tpu.memory_space<hbm>>
      %dma_wait3A_22 = arith.constant 0 : i32
      %dma_wait3A_23 = tpu.memref_slice %dma_wait3A_21[%mul3A_11, %dma_wait3A_22] : memref<10240x16xf32, #tpu.memory_space<hbm>> -> memref<640x16xf32, #tpu.memory_space<hbm>>
      %dma_wait3A_24 = arith.constant 0 : i32
      %dma_wait3A_25 = tpu.memref_slice %arg6[%mul3A_9, %dma_wait3A_24] : memref<10240x16xf32, #tpu.memory_space<vmem_shared>> -> memref<640x16xf32, #tpu.memory_space<vmem_shared>>
      tpu.wait_dma2 semaphore(%run_scoped3A : memref<!tpu.dma_semaphore, #tpu.memory_space<semaphore_mem>>) src(%dma_wait3A_25 : memref<640x16xf32, #tpu.memory_space<vmem_shared>>) dst(%dma_wait3A_23 : memref<640x16xf32, #tpu.memory_space<hbm>>)
      tpu.yield
    }) : () -> ()
    return
  }
}

#map = affine_map<(d0, d1) -> (0, 0)>
#map1 = affine_map<(d0, d1) -> (0, 0, 0)>
module attributes {stable_mosaic.version = 14 : i64} {
  func.func @agg_kernel(%arg0: i32, %arg1: i32, %arg2: memref<10240x128xf32, #tpu.memory_space<hbm>>, %arg3: memref<32x157x64xi32, #tpu.memory_space<hbm>>, %arg4: memref<32x157x64xi32, #tpu.memory_space<hbm>>, %arg5: memref<640x128xf32, #tpu.memory_space<hbm>>, %arg6: memref<2x10240x128xf32, #tpu.memory_space<hbm>>, %arg7: memref<10240x128xf32, #tpu.memory_space<vmem_shared>>, %arg8: memref<157x64xi32, #tpu.memory_space<vmem>>, %arg9: memref<157x64xi32, #tpu.memory_space<vmem>>, %arg10: memref<64x128xf32, #tpu.memory_space<vmem>>, %arg11: memref<64x128xf32, #tpu.memory_space<vmem>>, %arg12: memref<64x128xf32, #tpu.memory_space<vmem>>, %arg13: memref<!tpu.dma_semaphore, #tpu.memory_space<semaphore_mem>>, %arg14: memref<!tpu.dma_semaphore, #tpu.memory_space<semaphore_mem>>, %arg15: memref<!tpu.dma_semaphore, #tpu.memory_space<semaphore_mem>>, %arg16: memref<!tpu.dma_semaphore, #tpu.memory_space<semaphore_mem>>) attributes {dimension_semantics = [#tpu.dimension_semantics<core_parallel>, #tpu.dimension_semantics<subcore_parallel>], iteration_bounds = array<i64: 2, 16>, scalar_prefetch = 0 : i64, scratch_operands = 10 : i64, tpu.core_type = #tpu.core_type<sc_vector_subcore>, window_params = [{transform_indices = #map}, {transform_indices = #map1}, {transform_indices = #map1}, {transform_indices = #map}, {transform_indices = #map1}]} {
    %mul3A = arith.constant 2 : i32
    %mul3A_0 = arith.muli %arg1, %mul3A : i32
    %add3A = arith.addi %mul3A_0, %arg0 : i32
    %mul3A_1 = arith.constant 640 : i32
    %mul3A_2 = arith.muli %arg1, %mul3A_1 : i32
    %eq3A = arith.constant 0 : i32
    %eq3A_3 = arith.cmpi eq, %arg0, %eq3A : i32
    %convert_element_type3A = arith.extui %eq3A_3 : i1 to i32
    %cond3A = arith.constant 0 : i32
    %cond3A_4 = arith.cmpi ne, %convert_element_type3A, %cond3A : i32
    scf.if %cond3A_4 {
      %dma_start3A_75 = arith.constant 0 : i32
      %dma_start3A_76 = tpu.memref_slice %arg7[%mul3A_2, %dma_start3A_75] : memref<10240x128xf32, #tpu.memory_space<vmem_shared>> -> memref<640x128xf32, #tpu.memory_space<vmem_shared>>
      %dma_start3A_77 = arith.constant 0 : i32
      %dma_start3A_78 = tpu.memref_slice %arg2[%mul3A_2, %dma_start3A_77] : memref<10240x128xf32, #tpu.memory_space<hbm>> -> memref<640x128xf32, #tpu.memory_space<hbm>>
      tpu.enqueue_dma source(%dma_start3A_78 : memref<640x128xf32, #tpu.memory_space<hbm>>) target(%dma_start3A_76 : memref<640x128xf32, #tpu.memory_space<vmem_shared>>) target_semaphore(%arg16 : memref<!tpu.dma_semaphore, #tpu.memory_space<semaphore_mem>>)
    } else {
    }
    %eq3A_5 = arith.constant 1 : i32
    %eq3A_6 = arith.cmpi eq, %arg0, %eq3A_5 : i32
    %convert_element_type3A_7 = arith.extui %eq3A_6 : i1 to i32
    %cond3A_8 = arith.constant 0 : i32
    %cond3A_9 = arith.cmpi ne, %convert_element_type3A_7, %cond3A_8 : i32
    scf.if %cond3A_9 {
      %dma_start3A_75 = arith.constant 0 : i32
      %dma_start3A_76 = tpu.memref_slice %arg7[%mul3A_2, %dma_start3A_75] : memref<10240x128xf32, #tpu.memory_space<vmem_shared>> -> memref<640x128xf32, #tpu.memory_space<vmem_shared>>
      tpu.enqueue_dma source(%arg5 : memref<640x128xf32, #tpu.memory_space<hbm>>) target(%dma_start3A_76 : memref<640x128xf32, #tpu.memory_space<vmem_shared>>) target_semaphore(%arg16 : memref<!tpu.dma_semaphore, #tpu.memory_space<semaphore_mem>>)
    } else {
    }
    %dma_start3A = arith.constant 0 : i32
    %dma_start3A_10 = arith.constant 0 : i32
    %dma_start3A_11 = tpu.memref_slice %arg3[%add3A, %dma_start3A, %dma_start3A_10] : memref<32x157x64xi32, #tpu.memory_space<hbm>> -> memref<1x157x64xi32, #tpu.memory_space<hbm>>
    %dma_start3A_12 = tpu.memref_squeeze %dma_start3A_11 : memref<1x157x64xi32, #tpu.memory_space<hbm>> -> memref<157x64xi32, #tpu.memory_space<hbm>>
    %dma_start3A_13 = arith.constant 0 : i32
    %dma_start3A_14 = arith.constant 0 : i32
    %dma_start3A_15 = tpu.memref_slice %arg3[%add3A, %dma_start3A_13, %dma_start3A_14] : memref<32x157x64xi32, #tpu.memory_space<hbm>> -> memref<1x157x64xi32, #tpu.memory_space<hbm>>
    %dma_start3A_16 = tpu.memref_squeeze %dma_start3A_15 : memref<1x157x64xi32, #tpu.memory_space<hbm>> -> memref<157x64xi32, #tpu.memory_space<hbm>>
    tpu.enqueue_dma source(%dma_start3A_16 : memref<157x64xi32, #tpu.memory_space<hbm>>) target(%arg8 : memref<157x64xi32, #tpu.memory_space<vmem>>) target_semaphore(%arg13 : memref<!tpu.dma_semaphore, #tpu.memory_space<semaphore_mem>>)
    %dma_start3A_17 = arith.constant 0 : i32
    %dma_start3A_18 = arith.constant 0 : i32
    %dma_start3A_19 = tpu.memref_slice %arg4[%add3A, %dma_start3A_17, %dma_start3A_18] : memref<32x157x64xi32, #tpu.memory_space<hbm>> -> memref<1x157x64xi32, #tpu.memory_space<hbm>>
    %dma_start3A_20 = tpu.memref_squeeze %dma_start3A_19 : memref<1x157x64xi32, #tpu.memory_space<hbm>> -> memref<157x64xi32, #tpu.memory_space<hbm>>
    %dma_start3A_21 = arith.constant 0 : i32
    %dma_start3A_22 = arith.constant 0 : i32
    %dma_start3A_23 = tpu.memref_slice %arg4[%add3A, %dma_start3A_21, %dma_start3A_22] : memref<32x157x64xi32, #tpu.memory_space<hbm>> -> memref<1x157x64xi32, #tpu.memory_space<hbm>>
    %dma_start3A_24 = tpu.memref_squeeze %dma_start3A_23 : memref<1x157x64xi32, #tpu.memory_space<hbm>> -> memref<157x64xi32, #tpu.memory_space<hbm>>
    tpu.enqueue_dma source(%dma_start3A_24 : memref<157x64xi32, #tpu.memory_space<hbm>>) target(%arg9 : memref<157x64xi32, #tpu.memory_space<vmem>>) target_semaphore(%arg14 : memref<!tpu.dma_semaphore, #tpu.memory_space<semaphore_mem>>)
    %dma_wait3A = arith.constant 0 : i32
    %dma_wait3A_25 = tpu.memref_slice %arg7[%mul3A_2, %dma_wait3A] : memref<10240x128xf32, #tpu.memory_space<vmem_shared>> -> memref<640x128xf32, #tpu.memory_space<vmem_shared>>
    tpu.wait_dma2 semaphore(%arg16 : memref<!tpu.dma_semaphore, #tpu.memory_space<semaphore_mem>>) src(%arg5 : memref<640x128xf32, #tpu.memory_space<hbm>>) dst(%dma_wait3A_25 : memref<640x128xf32, #tpu.memory_space<vmem_shared>>)
    %dma_wait3A_26 = arith.constant 0 : i32
    %dma_wait3A_27 = arith.constant 0 : i32
    %dma_wait3A_28 = tpu.memref_slice %arg3[%add3A, %dma_wait3A_26, %dma_wait3A_27] : memref<32x157x64xi32, #tpu.memory_space<hbm>> -> memref<1x157x64xi32, #tpu.memory_space<hbm>>
    %dma_wait3A_29 = tpu.memref_squeeze %dma_wait3A_28 : memref<1x157x64xi32, #tpu.memory_space<hbm>> -> memref<157x64xi32, #tpu.memory_space<hbm>>
    %dma_wait3A_30 = arith.constant 0 : i32
    %dma_wait3A_31 = arith.constant 0 : i32
    %dma_wait3A_32 = tpu.memref_slice %arg3[%add3A, %dma_wait3A_30, %dma_wait3A_31] : memref<32x157x64xi32, #tpu.memory_space<hbm>> -> memref<1x157x64xi32, #tpu.memory_space<hbm>>
    %dma_wait3A_33 = tpu.memref_squeeze %dma_wait3A_32 : memref<1x157x64xi32, #tpu.memory_space<hbm>> -> memref<157x64xi32, #tpu.memory_space<hbm>>
    tpu.wait_dma2 semaphore(%arg13 : memref<!tpu.dma_semaphore, #tpu.memory_space<semaphore_mem>>) src(%dma_wait3A_33 : memref<157x64xi32, #tpu.memory_space<hbm>>) dst(%arg8 : memref<157x64xi32, #tpu.memory_space<vmem>>)
    %dma_wait3A_34 = arith.constant 0 : i32
    %dma_wait3A_35 = arith.constant 0 : i32
    %dma_wait3A_36 = tpu.memref_slice %arg4[%add3A, %dma_wait3A_34, %dma_wait3A_35] : memref<32x157x64xi32, #tpu.memory_space<hbm>> -> memref<1x157x64xi32, #tpu.memory_space<hbm>>
    %dma_wait3A_37 = tpu.memref_squeeze %dma_wait3A_36 : memref<1x157x64xi32, #tpu.memory_space<hbm>> -> memref<157x64xi32, #tpu.memory_space<hbm>>
    %dma_wait3A_38 = arith.constant 0 : i32
    %dma_wait3A_39 = arith.constant 0 : i32
    %dma_wait3A_40 = tpu.memref_slice %arg4[%add3A, %dma_wait3A_38, %dma_wait3A_39] : memref<32x157x64xi32, #tpu.memory_space<hbm>> -> memref<1x157x64xi32, #tpu.memory_space<hbm>>
    %dma_wait3A_41 = tpu.memref_squeeze %dma_wait3A_40 : memref<1x157x64xi32, #tpu.memory_space<hbm>> -> memref<157x64xi32, #tpu.memory_space<hbm>>
    tpu.wait_dma2 semaphore(%arg14 : memref<!tpu.dma_semaphore, #tpu.memory_space<semaphore_mem>>) src(%dma_wait3A_41 : memref<157x64xi32, #tpu.memory_space<hbm>>) dst(%arg9 : memref<157x64xi32, #tpu.memory_space<vmem>>)
    %barrier3A = arith.constant 0 : index
    tpu.barrier barrier_id(%barrier3A)
    %dma_start3A_42 = arith.constant 0 : i32
    %dma_start3A_43 = arith.constant 0 : i32
    %dma_start3A_44 = tpu.memref_slice %arg8[%dma_start3A_42, %dma_start3A_43] : memref<157x64xi32, #tpu.memory_space<vmem>> -> memref<1x64xi32, #tpu.memory_space<vmem>>
    %dma_start3A_45 = tpu.memref_squeeze %dma_start3A_44 : memref<1x64xi32, #tpu.memory_space<vmem>> -> memref<64xi32, #tpu.memory_space<vmem>>
    %dma_start3A_46 = arith.constant 0 : i32
    %dma_start3A_47 = arith.constant 0 : i32
    %dma_start3A_48 = tpu.memref_slice %arg2[%dma_start3A_46, %dma_start3A_47] : memref<10240x128xf32, #tpu.memory_space<hbm>> -> memref<10240x128xf32, #tpu.memory_space<hbm>>
    tpu.enqueue_indirect_dma source(%dma_start3A_48 : memref<10240x128xf32, #tpu.memory_space<hbm>>) target(%arg10 : memref<64x128xf32, #tpu.memory_space<vmem>>) offsets(%dma_start3A_45 : memref<64xi32, #tpu.memory_space<vmem>>) semaphore(%arg13 : memref<!tpu.dma_semaphore, #tpu.memory_space<semaphore_mem>>)
    %dma_start3A_49 = arith.constant 1 : i32
    %dma_start3A_50 = arith.constant 0 : i32
    %dma_start3A_51 = tpu.memref_slice %arg8[%dma_start3A_49, %dma_start3A_50] : memref<157x64xi32, #tpu.memory_space<vmem>> -> memref<1x64xi32, #tpu.memory_space<vmem>>
    %dma_start3A_52 = tpu.memref_squeeze %dma_start3A_51 : memref<1x64xi32, #tpu.memory_space<vmem>> -> memref<64xi32, #tpu.memory_space<vmem>>
    %dma_start3A_53 = arith.constant 0 : i32
    %dma_start3A_54 = arith.constant 0 : i32
    %dma_start3A_55 = tpu.memref_slice %arg2[%dma_start3A_53, %dma_start3A_54] : memref<10240x128xf32, #tpu.memory_space<hbm>> -> memref<10240x128xf32, #tpu.memory_space<hbm>>
    tpu.enqueue_indirect_dma source(%dma_start3A_55 : memref<10240x128xf32, #tpu.memory_space<hbm>>) target(%arg11 : memref<64x128xf32, #tpu.memory_space<vmem>>) offsets(%dma_start3A_52 : memref<64xi32, #tpu.memory_space<vmem>>) semaphore(%arg14 : memref<!tpu.dma_semaphore, #tpu.memory_space<semaphore_mem>>)
    %dma_start3A_56 = arith.constant 2 : i32
    %dma_start3A_57 = arith.constant 0 : i32
    %dma_start3A_58 = tpu.memref_slice %arg8[%dma_start3A_56, %dma_start3A_57] : memref<157x64xi32, #tpu.memory_space<vmem>> -> memref<1x64xi32, #tpu.memory_space<vmem>>
    %dma_start3A_59 = tpu.memref_squeeze %dma_start3A_58 : memref<1x64xi32, #tpu.memory_space<vmem>> -> memref<64xi32, #tpu.memory_space<vmem>>
    %dma_start3A_60 = arith.constant 0 : i32
    %dma_start3A_61 = arith.constant 0 : i32
    %dma_start3A_62 = tpu.memref_slice %arg2[%dma_start3A_60, %dma_start3A_61] : memref<10240x128xf32, #tpu.memory_space<hbm>> -> memref<10240x128xf32, #tpu.memory_space<hbm>>
    tpu.enqueue_indirect_dma source(%dma_start3A_62 : memref<10240x128xf32, #tpu.memory_space<hbm>>) target(%arg12 : memref<64x128xf32, #tpu.memory_space<vmem>>) offsets(%dma_start3A_59 : memref<64xi32, #tpu.memory_space<vmem>>) semaphore(%arg15 : memref<!tpu.dma_semaphore, #tpu.memory_space<semaphore_mem>>)
    %scan3A = arith.constant 0 : i32
    %scan3A_63 = arith.constant 52 : i32
    %scan3A_64 = arith.addi %scan3A, %scan3A_63 : i32
    %scan3A_65 = arith.constant 1 : i32
    scf.for %scan3A_75 = %scan3A to %scan3A_64 step %scan3A_65  : i32 {
      %mul3A_76 = arith.constant 3 : i32
      %mul3A_77 = arith.muli %scan3A_75, %mul3A_76 : i32
      %add3A_78 = arith.constant 0 : i32
      %add3A_79 = arith.addi %add3A_78, %mul3A_77 : i32
      %dma_wait3A_80 = arith.constant 0 : i32
      %dma_wait3A_81 = tpu.memref_slice %arg8[%add3A_79, %dma_wait3A_80] : memref<157x64xi32, #tpu.memory_space<vmem>> -> memref<1x64xi32, #tpu.memory_space<vmem>>
      %dma_wait3A_82 = tpu.memref_squeeze %dma_wait3A_81 : memref<1x64xi32, #tpu.memory_space<vmem>> -> memref<64xi32, #tpu.memory_space<vmem>>
      %dma_wait3A_83 = arith.constant 0 : i32
      %dma_wait3A_84 = arith.constant 0 : i32
      %dma_wait3A_85 = tpu.memref_slice %arg2[%dma_wait3A_83, %dma_wait3A_84] : memref<10240x128xf32, #tpu.memory_space<hbm>> -> memref<10240x128xf32, #tpu.memory_space<hbm>>
      tpu.wait_indirect_dma semaphore(%arg13 : memref<!tpu.dma_semaphore, #tpu.memory_space<semaphore_mem>>) src(%dma_wait3A_85 : memref<10240x128xf32, #tpu.memory_space<hbm>>) dst(%arg10 : memref<64x128xf32, #tpu.memory_space<vmem>>)
      "tpu.region"() ({
        %run_scoped3A_127 = tpu.sem_alloc : memref<!tpu.dma_semaphore, #tpu.memory_space<semaphore_mem>>
        %dma_start3A_128 = arith.constant 0 : i32
        %dma_start3A_129 = tpu.memref_slice %arg9[%add3A_79, %dma_start3A_128] : memref<157x64xi32, #tpu.memory_space<vmem>> -> memref<1x64xi32, #tpu.memory_space<vmem>>
        %dma_start3A_130 = tpu.memref_squeeze %dma_start3A_129 : memref<1x64xi32, #tpu.memory_space<vmem>> -> memref<64xi32, #tpu.memory_space<vmem>>
        %dma_start3A_131 = arith.constant 0 : i32
        %dma_start3A_132 = arith.constant 0 : i32
        %dma_start3A_133 = tpu.memref_slice %arg7[%dma_start3A_131, %dma_start3A_132] : memref<10240x128xf32, #tpu.memory_space<vmem_shared>> -> memref<10240x128xf32, #tpu.memory_space<vmem_shared>>
        tpu.enqueue_indirect_dma source(%arg10 : memref<64x128xf32, #tpu.memory_space<vmem>>) target(%dma_start3A_133 : memref<10240x128xf32, #tpu.memory_space<vmem_shared>>) offsets(%dma_start3A_130 : memref<64xi32, #tpu.memory_space<vmem>>) semaphore(%run_scoped3A_127 : memref<!tpu.dma_semaphore, #tpu.memory_space<semaphore_mem>>) {add = true}
        %dma_wait3A_134 = arith.constant 0 : i32
        %dma_wait3A_135 = tpu.memref_slice %arg9[%add3A_79, %dma_wait3A_134] : memref<157x64xi32, #tpu.memory_space<vmem>> -> memref<1x64xi32, #tpu.memory_space<vmem>>
        %dma_wait3A_136 = tpu.memref_squeeze %dma_wait3A_135 : memref<1x64xi32, #tpu.memory_space<vmem>> -> memref<64xi32, #tpu.memory_space<vmem>>
        %dma_wait3A_137 = arith.constant 0 : i32
        %dma_wait3A_138 = arith.constant 0 : i32
        %dma_wait3A_139 = tpu.memref_slice %arg7[%dma_wait3A_137, %dma_wait3A_138] : memref<10240x128xf32, #tpu.memory_space<vmem_shared>> -> memref<10240x128xf32, #tpu.memory_space<vmem_shared>>
        tpu.wait_indirect_dma semaphore(%run_scoped3A_127 : memref<!tpu.dma_semaphore, #tpu.memory_space<semaphore_mem>>) src(%arg10 : memref<64x128xf32, #tpu.memory_space<vmem>>) dst(%dma_wait3A_139 : memref<10240x128xf32, #tpu.memory_space<vmem_shared>>)
        tpu.yield
      }) : () -> ()
      %add3A_86 = arith.constant 3 : i32
      %add3A_87 = arith.addi %add3A_79, %add3A_86 : i32
      %dma_start3A_88 = arith.constant 0 : i32
      %dma_start3A_89 = tpu.memref_slice %arg8[%add3A_87, %dma_start3A_88] : memref<157x64xi32, #tpu.memory_space<vmem>> -> memref<1x64xi32, #tpu.memory_space<vmem>>
      %dma_start3A_90 = tpu.memref_squeeze %dma_start3A_89 : memref<1x64xi32, #tpu.memory_space<vmem>> -> memref<64xi32, #tpu.memory_space<vmem>>
      %dma_start3A_91 = arith.constant 0 : i32
      %dma_start3A_92 = arith.constant 0 : i32
      %dma_start3A_93 = tpu.memref_slice %arg2[%dma_start3A_91, %dma_start3A_92] : memref<10240x128xf32, #tpu.memory_space<hbm>> -> memref<10240x128xf32, #tpu.memory_space<hbm>>
      tpu.enqueue_indirect_dma source(%dma_start3A_93 : memref<10240x128xf32, #tpu.memory_space<hbm>>) target(%arg10 : memref<64x128xf32, #tpu.memory_space<vmem>>) offsets(%dma_start3A_90 : memref<64xi32, #tpu.memory_space<vmem>>) semaphore(%arg13 : memref<!tpu.dma_semaphore, #tpu.memory_space<semaphore_mem>>)
      %add3A_94 = arith.constant 1 : i32
      %add3A_95 = arith.addi %add3A_79, %add3A_94 : i32
      %dma_wait3A_96 = arith.constant 0 : i32
      %dma_wait3A_97 = tpu.memref_slice %arg8[%add3A_95, %dma_wait3A_96] : memref<157x64xi32, #tpu.memory_space<vmem>> -> memref<1x64xi32, #tpu.memory_space<vmem>>
      %dma_wait3A_98 = tpu.memref_squeeze %dma_wait3A_97 : memref<1x64xi32, #tpu.memory_space<vmem>> -> memref<64xi32, #tpu.memory_space<vmem>>
      %dma_wait3A_99 = arith.constant 0 : i32
      %dma_wait3A_100 = arith.constant 0 : i32
      %dma_wait3A_101 = tpu.memref_slice %arg2[%dma_wait3A_99, %dma_wait3A_100] : memref<10240x128xf32, #tpu.memory_space<hbm>> -> memref<10240x128xf32, #tpu.memory_space<hbm>>
      tpu.wait_indirect_dma semaphore(%arg14 : memref<!tpu.dma_semaphore, #tpu.memory_space<semaphore_mem>>) src(%dma_wait3A_101 : memref<10240x128xf32, #tpu.memory_space<hbm>>) dst(%arg11 : memref<64x128xf32, #tpu.memory_space<vmem>>)
      %add3A_102 = arith.constant 1 : i32
      %add3A_103 = arith.addi %add3A_79, %add3A_102 : i32
      "tpu.region"() ({
        %run_scoped3A_127 = tpu.sem_alloc : memref<!tpu.dma_semaphore, #tpu.memory_space<semaphore_mem>>
        %dma_start3A_128 = arith.constant 0 : i32
        %dma_start3A_129 = tpu.memref_slice %arg9[%add3A_103, %dma_start3A_128] : memref<157x64xi32, #tpu.memory_space<vmem>> -> memref<1x64xi32, #tpu.memory_space<vmem>>
        %dma_start3A_130 = tpu.memref_squeeze %dma_start3A_129 : memref<1x64xi32, #tpu.memory_space<vmem>> -> memref<64xi32, #tpu.memory_space<vmem>>
        %dma_start3A_131 = arith.constant 0 : i32
        %dma_start3A_132 = arith.constant 0 : i32
        %dma_start3A_133 = tpu.memref_slice %arg7[%dma_start3A_131, %dma_start3A_132] : memref<10240x128xf32, #tpu.memory_space<vmem_shared>> -> memref<10240x128xf32, #tpu.memory_space<vmem_shared>>
        tpu.enqueue_indirect_dma source(%arg11 : memref<64x128xf32, #tpu.memory_space<vmem>>) target(%dma_start3A_133 : memref<10240x128xf32, #tpu.memory_space<vmem_shared>>) offsets(%dma_start3A_130 : memref<64xi32, #tpu.memory_space<vmem>>) semaphore(%run_scoped3A_127 : memref<!tpu.dma_semaphore, #tpu.memory_space<semaphore_mem>>) {add = true}
        %dma_wait3A_134 = arith.constant 0 : i32
        %dma_wait3A_135 = tpu.memref_slice %arg9[%add3A_103, %dma_wait3A_134] : memref<157x64xi32, #tpu.memory_space<vmem>> -> memref<1x64xi32, #tpu.memory_space<vmem>>
        %dma_wait3A_136 = tpu.memref_squeeze %dma_wait3A_135 : memref<1x64xi32, #tpu.memory_space<vmem>> -> memref<64xi32, #tpu.memory_space<vmem>>
        %dma_wait3A_137 = arith.constant 0 : i32
        %dma_wait3A_138 = arith.constant 0 : i32
        %dma_wait3A_139 = tpu.memref_slice %arg7[%dma_wait3A_137, %dma_wait3A_138] : memref<10240x128xf32, #tpu.memory_space<vmem_shared>> -> memref<10240x128xf32, #tpu.memory_space<vmem_shared>>
        tpu.wait_indirect_dma semaphore(%run_scoped3A_127 : memref<!tpu.dma_semaphore, #tpu.memory_space<semaphore_mem>>) src(%arg11 : memref<64x128xf32, #tpu.memory_space<vmem>>) dst(%dma_wait3A_139 : memref<10240x128xf32, #tpu.memory_space<vmem_shared>>)
        tpu.yield
      }) : () -> ()
      %add3A_104 = arith.constant 4 : i32
      %add3A_105 = arith.addi %add3A_79, %add3A_104 : i32
      %lt3A = arith.constant 157 : i32
      %lt3A_106 = arith.cmpi slt, %add3A_105, %lt3A : i32
      %convert_element_type3A_107 = arith.extui %lt3A_106 : i1 to i32
      %cond3A_108 = arith.constant 0 : i32
      %cond3A_109 = arith.cmpi ne, %convert_element_type3A_107, %cond3A_108 : i32
      scf.if %cond3A_109 {
        %add3A_127 = arith.constant 4 : i32
        %add3A_128 = arith.addi %add3A_79, %add3A_127 : i32
        %dma_start3A_129 = arith.constant 0 : i32
        %dma_start3A_130 = tpu.memref_slice %arg8[%add3A_128, %dma_start3A_129] : memref<157x64xi32, #tpu.memory_space<vmem>> -> memref<1x64xi32, #tpu.memory_space<vmem>>
        %dma_start3A_131 = tpu.memref_squeeze %dma_start3A_130 : memref<1x64xi32, #tpu.memory_space<vmem>> -> memref<64xi32, #tpu.memory_space<vmem>>
        %dma_start3A_132 = arith.constant 0 : i32
        %dma_start3A_133 = arith.constant 0 : i32
        %dma_start3A_134 = tpu.memref_slice %arg2[%dma_start3A_132, %dma_start3A_133] : memref<10240x128xf32, #tpu.memory_space<hbm>> -> memref<10240x128xf32, #tpu.memory_space<hbm>>
        tpu.enqueue_indirect_dma source(%dma_start3A_134 : memref<10240x128xf32, #tpu.memory_space<hbm>>) target(%arg11 : memref<64x128xf32, #tpu.memory_space<vmem>>) offsets(%dma_start3A_131 : memref<64xi32, #tpu.memory_space<vmem>>) semaphore(%arg14 : memref<!tpu.dma_semaphore, #tpu.memory_space<semaphore_mem>>)
      } else {
      }
      %add3A_110 = arith.constant 2 : i32
      %add3A_111 = arith.addi %add3A_79, %add3A_110 : i32
      %dma_wait3A_112 = arith.constant 0 : i32
      %dma_wait3A_113 = tpu.memref_slice %arg8[%add3A_111, %dma_wait3A_112] : memref<157x64xi32, #tpu.memory_space<vmem>> -> memref<1x64xi32, #tpu.memory_space<vmem>>
      %dma_wait3A_114 = tpu.memref_squeeze %dma_wait3A_113 : memref<1x64xi32, #tpu.memory_space<vmem>> -> memref<64xi32, #tpu.memory_space<vmem>>
      %dma_wait3A_115 = arith.constant 0 : i32
      %dma_wait3A_116 = arith.constant 0 : i32
      %dma_wait3A_117 = tpu.memref_slice %arg2[%dma_wait3A_115, %dma_wait3A_116] : memref<10240x128xf32, #tpu.memory_space<hbm>> -> memref<10240x128xf32, #tpu.memory_space<hbm>>
      tpu.wait_indirect_dma semaphore(%arg15 : memref<!tpu.dma_semaphore, #tpu.memory_space<semaphore_mem>>) src(%dma_wait3A_117 : memref<10240x128xf32, #tpu.memory_space<hbm>>) dst(%arg12 : memref<64x128xf32, #tpu.memory_space<vmem>>)
      %add3A_118 = arith.constant 2 : i32
      %add3A_119 = arith.addi %add3A_79, %add3A_118 : i32
      "tpu.region"() ({
        %run_scoped3A_127 = tpu.sem_alloc : memref<!tpu.dma_semaphore, #tpu.memory_space<semaphore_mem>>
        %dma_start3A_128 = arith.constant 0 : i32
        %dma_start3A_129 = tpu.memref_slice %arg9[%add3A_119, %dma_start3A_128] : memref<157x64xi32, #tpu.memory_space<vmem>> -> memref<1x64xi32, #tpu.memory_space<vmem>>
        %dma_start3A_130 = tpu.memref_squeeze %dma_start3A_129 : memref<1x64xi32, #tpu.memory_space<vmem>> -> memref<64xi32, #tpu.memory_space<vmem>>
        %dma_start3A_131 = arith.constant 0 : i32
        %dma_start3A_132 = arith.constant 0 : i32
        %dma_start3A_133 = tpu.memref_slice %arg7[%dma_start3A_131, %dma_start3A_132] : memref<10240x128xf32, #tpu.memory_space<vmem_shared>> -> memref<10240x128xf32, #tpu.memory_space<vmem_shared>>
        tpu.enqueue_indirect_dma source(%arg12 : memref<64x128xf32, #tpu.memory_space<vmem>>) target(%dma_start3A_133 : memref<10240x128xf32, #tpu.memory_space<vmem_shared>>) offsets(%dma_start3A_130 : memref<64xi32, #tpu.memory_space<vmem>>) semaphore(%run_scoped3A_127 : memref<!tpu.dma_semaphore, #tpu.memory_space<semaphore_mem>>) {add = true}
        %dma_wait3A_134 = arith.constant 0 : i32
        %dma_wait3A_135 = tpu.memref_slice %arg9[%add3A_119, %dma_wait3A_134] : memref<157x64xi32, #tpu.memory_space<vmem>> -> memref<1x64xi32, #tpu.memory_space<vmem>>
        %dma_wait3A_136 = tpu.memref_squeeze %dma_wait3A_135 : memref<1x64xi32, #tpu.memory_space<vmem>> -> memref<64xi32, #tpu.memory_space<vmem>>
        %dma_wait3A_137 = arith.constant 0 : i32
        %dma_wait3A_138 = arith.constant 0 : i32
        %dma_wait3A_139 = tpu.memref_slice %arg7[%dma_wait3A_137, %dma_wait3A_138] : memref<10240x128xf32, #tpu.memory_space<vmem_shared>> -> memref<10240x128xf32, #tpu.memory_space<vmem_shared>>
        tpu.wait_indirect_dma semaphore(%run_scoped3A_127 : memref<!tpu.dma_semaphore, #tpu.memory_space<semaphore_mem>>) src(%arg12 : memref<64x128xf32, #tpu.memory_space<vmem>>) dst(%dma_wait3A_139 : memref<10240x128xf32, #tpu.memory_space<vmem_shared>>)
        tpu.yield
      }) : () -> ()
      %add3A_120 = arith.constant 5 : i32
      %add3A_121 = arith.addi %add3A_79, %add3A_120 : i32
      %lt3A_122 = arith.constant 157 : i32
      %lt3A_123 = arith.cmpi slt, %add3A_121, %lt3A_122 : i32
      %convert_element_type3A_124 = arith.extui %lt3A_123 : i1 to i32
      %cond3A_125 = arith.constant 0 : i32
      %cond3A_126 = arith.cmpi ne, %convert_element_type3A_124, %cond3A_125 : i32
      scf.if %cond3A_126 {
        %add3A_127 = arith.constant 5 : i32
        %add3A_128 = arith.addi %add3A_79, %add3A_127 : i32
        %dma_start3A_129 = arith.constant 0 : i32
        %dma_start3A_130 = tpu.memref_slice %arg8[%add3A_128, %dma_start3A_129] : memref<157x64xi32, #tpu.memory_space<vmem>> -> memref<1x64xi32, #tpu.memory_space<vmem>>
        %dma_start3A_131 = tpu.memref_squeeze %dma_start3A_130 : memref<1x64xi32, #tpu.memory_space<vmem>> -> memref<64xi32, #tpu.memory_space<vmem>>
        %dma_start3A_132 = arith.constant 0 : i32
        %dma_start3A_133 = arith.constant 0 : i32
        %dma_start3A_134 = tpu.memref_slice %arg2[%dma_start3A_132, %dma_start3A_133] : memref<10240x128xf32, #tpu.memory_space<hbm>> -> memref<10240x128xf32, #tpu.memory_space<hbm>>
        tpu.enqueue_indirect_dma source(%dma_start3A_134 : memref<10240x128xf32, #tpu.memory_space<hbm>>) target(%arg12 : memref<64x128xf32, #tpu.memory_space<vmem>>) offsets(%dma_start3A_131 : memref<64xi32, #tpu.memory_space<vmem>>) semaphore(%arg15 : memref<!tpu.dma_semaphore, #tpu.memory_space<semaphore_mem>>)
      } else {
      }
    }
    %scan3A_66 = arith.constant 52 : i32
    %dma_wait3A_67 = arith.constant 156 : i32
    %dma_wait3A_68 = arith.constant 0 : i32
    %dma_wait3A_69 = tpu.memref_slice %arg8[%dma_wait3A_67, %dma_wait3A_68] : memref<157x64xi32, #tpu.memory_space<vmem>> -> memref<1x64xi32, #tpu.memory_space<vmem>>
    %dma_wait3A_70 = tpu.memref_squeeze %dma_wait3A_69 : memref<1x64xi32, #tpu.memory_space<vmem>> -> memref<64xi32, #tpu.memory_space<vmem>>
    %dma_wait3A_71 = arith.constant 0 : i32
    %dma_wait3A_72 = arith.constant 0 : i32
    %dma_wait3A_73 = tpu.memref_slice %arg2[%dma_wait3A_71, %dma_wait3A_72] : memref<10240x128xf32, #tpu.memory_space<hbm>> -> memref<10240x128xf32, #tpu.memory_space<hbm>>
    tpu.wait_indirect_dma semaphore(%arg13 : memref<!tpu.dma_semaphore, #tpu.memory_space<semaphore_mem>>) src(%dma_wait3A_73 : memref<10240x128xf32, #tpu.memory_space<hbm>>) dst(%arg10 : memref<64x128xf32, #tpu.memory_space<vmem>>)
    %run_scoped3A = arith.constant 156 : i32
    "tpu.region"() ({
      %run_scoped3A_75 = tpu.sem_alloc : memref<!tpu.dma_semaphore, #tpu.memory_space<semaphore_mem>>
      %dma_start3A_76 = arith.constant 0 : i32
      %dma_start3A_77 = tpu.memref_slice %arg9[%run_scoped3A, %dma_start3A_76] : memref<157x64xi32, #tpu.memory_space<vmem>> -> memref<1x64xi32, #tpu.memory_space<vmem>>
      %dma_start3A_78 = tpu.memref_squeeze %dma_start3A_77 : memref<1x64xi32, #tpu.memory_space<vmem>> -> memref<64xi32, #tpu.memory_space<vmem>>
      %dma_start3A_79 = arith.constant 0 : i32
      %dma_start3A_80 = arith.constant 0 : i32
      %dma_start3A_81 = tpu.memref_slice %arg7[%dma_start3A_79, %dma_start3A_80] : memref<10240x128xf32, #tpu.memory_space<vmem_shared>> -> memref<10240x128xf32, #tpu.memory_space<vmem_shared>>
      tpu.enqueue_indirect_dma source(%arg10 : memref<64x128xf32, #tpu.memory_space<vmem>>) target(%dma_start3A_81 : memref<10240x128xf32, #tpu.memory_space<vmem_shared>>) offsets(%dma_start3A_78 : memref<64xi32, #tpu.memory_space<vmem>>) semaphore(%run_scoped3A_75 : memref<!tpu.dma_semaphore, #tpu.memory_space<semaphore_mem>>) {add = true}
      %dma_wait3A_82 = arith.constant 0 : i32
      %dma_wait3A_83 = tpu.memref_slice %arg9[%run_scoped3A, %dma_wait3A_82] : memref<157x64xi32, #tpu.memory_space<vmem>> -> memref<1x64xi32, #tpu.memory_space<vmem>>
      %dma_wait3A_84 = tpu.memref_squeeze %dma_wait3A_83 : memref<1x64xi32, #tpu.memory_space<vmem>> -> memref<64xi32, #tpu.memory_space<vmem>>
      %dma_wait3A_85 = arith.constant 0 : i32
      %dma_wait3A_86 = arith.constant 0 : i32
      %dma_wait3A_87 = tpu.memref_slice %arg7[%dma_wait3A_85, %dma_wait3A_86] : memref<10240x128xf32, #tpu.memory_space<vmem_shared>> -> memref<10240x128xf32, #tpu.memory_space<vmem_shared>>
      tpu.wait_indirect_dma semaphore(%run_scoped3A_75 : memref<!tpu.dma_semaphore, #tpu.memory_space<semaphore_mem>>) src(%arg10 : memref<64x128xf32, #tpu.memory_space<vmem>>) dst(%dma_wait3A_87 : memref<10240x128xf32, #tpu.memory_space<vmem_shared>>)
      tpu.yield
    }) : () -> ()
    %barrier3A_74 = arith.constant 0 : index
    tpu.barrier barrier_id(%barrier3A_74)
    "tpu.region"() ({
      %run_scoped3A_75 = tpu.sem_alloc : memref<!tpu.dma_semaphore, #tpu.memory_space<semaphore_mem>>
      %dma_start3A_76 = arith.constant 0 : i32
      %dma_start3A_77 = arith.constant 0 : i32
      %dma_start3A_78 = tpu.memref_slice %arg6[%arg0, %dma_start3A_76, %dma_start3A_77] : memref<2x10240x128xf32, #tpu.memory_space<hbm>> -> memref<1x10240x128xf32, #tpu.memory_space<hbm>>
      %dma_start3A_79 = tpu.memref_squeeze %dma_start3A_78 : memref<1x10240x128xf32, #tpu.memory_space<hbm>> -> memref<10240x128xf32, #tpu.memory_space<hbm>>
      %dma_start3A_80 = arith.constant 0 : i32
      %dma_start3A_81 = tpu.memref_slice %dma_start3A_79[%mul3A_2, %dma_start3A_80] : memref<10240x128xf32, #tpu.memory_space<hbm>> -> memref<640x128xf32, #tpu.memory_space<hbm>>
      %dma_start3A_82 = arith.constant 0 : i32
      %dma_start3A_83 = tpu.memref_slice %arg7[%mul3A_2, %dma_start3A_82] : memref<10240x128xf32, #tpu.memory_space<vmem_shared>> -> memref<640x128xf32, #tpu.memory_space<vmem_shared>>
      tpu.enqueue_dma source(%dma_start3A_83 : memref<640x128xf32, #tpu.memory_space<vmem_shared>>) target(%dma_start3A_81 : memref<640x128xf32, #tpu.memory_space<hbm>>) target_semaphore(%run_scoped3A_75 : memref<!tpu.dma_semaphore, #tpu.memory_space<semaphore_mem>>)
      %dma_wait3A_84 = arith.constant 0 : i32
      %dma_wait3A_85 = arith.constant 0 : i32
      %dma_wait3A_86 = tpu.memref_slice %arg6[%arg0, %dma_wait3A_84, %dma_wait3A_85] : memref<2x10240x128xf32, #tpu.memory_space<hbm>> -> memref<1x10240x128xf32, #tpu.memory_space<hbm>>
      %dma_wait3A_87 = tpu.memref_squeeze %dma_wait3A_86 : memref<1x10240x128xf32, #tpu.memory_space<hbm>> -> memref<10240x128xf32, #tpu.memory_space<hbm>>
      %dma_wait3A_88 = arith.constant 0 : i32
      %dma_wait3A_89 = tpu.memref_slice %dma_wait3A_87[%mul3A_2, %dma_wait3A_88] : memref<10240x128xf32, #tpu.memory_space<hbm>> -> memref<640x128xf32, #tpu.memory_space<hbm>>
      %dma_wait3A_90 = arith.constant 0 : i32
      %dma_wait3A_91 = tpu.memref_slice %arg7[%mul3A_2, %dma_wait3A_90] : memref<10240x128xf32, #tpu.memory_space<vmem_shared>> -> memref<640x128xf32, #tpu.memory_space<vmem_shared>>
      tpu.wait_dma2 semaphore(%run_scoped3A_75 : memref<!tpu.dma_semaphore, #tpu.memory_space<semaphore_mem>>) src(%dma_wait3A_91 : memref<640x128xf32, #tpu.memory_space<vmem_shared>>) dst(%dma_wait3A_89 : memref<640x128xf32, #tpu.memory_space<hbm>>)
      tpu.yield
    }) : () -> ()
    return
  }
}

module attributes {stable_mosaic.version = 14 : i64} {
  func.func @_mm_raw_body(%arg0: i32, %arg1: memref<512x128xf32, #tpu.memory_space<vmem>>, %arg2: memref<128x128xf32, #tpu.memory_space<vmem>>, %arg3: memref<512x128xf32, #tpu.memory_space<vmem>>) attributes {dimension_semantics = [#tpu.dimension_semantics<arbitrary>], iteration_bounds = array<i64: 20>, scalar_prefetch = 0 : i64, scratch_operands = 0 : i64, tpu.core_type = #tpu.core_type<tc>, window_params = [{transform_indices = @transform_0, window_bounds = array<i64: 512, 128>}, {pipeline_mode = #tpu.pipeline_mode<synchronous>, transform_indices = @transform_1, window_bounds = array<i64: 128, 128>}, {transform_indices = @transform_2, window_bounds = array<i64: 512, 128>}]} {
    %get3A = arith.constant 0 : index
    %get3A_0 = arith.constant 0 : index
    %get3A_1 = vector.load %arg1[%get3A, %get3A_0] : memref<512x128xf32, #tpu.memory_space<vmem>>, vector<512x128xf32>
    %get3A_2 = arith.constant 0 : index
    %get3A_3 = arith.constant 0 : index
    %get3A_4 = vector.load %arg2[%get3A_2, %get3A_3] : memref<128x128xf32, #tpu.memory_space<vmem>>, vector<128x128xf32>
    %dot_general3A = arith.constant dense<0.000000e+00> : vector<512x128xf32>
    %dot_general3A_5 = tpu.matmul %get3A_1, %get3A_4, %dot_general3A {dimension_numbers = #tpu.dot_dimension_numbers<[1], [0], [0], [1], [0, 0, 1, 1], [], []>, transpose_lhs_hint = false} : vector<512x128xf32>, vector<128x128xf32>, vector<512x128xf32> -> vector<512x128xf32>
    %swap3A = arith.constant 0 : index
    %swap3A_6 = arith.constant 0 : index
    %swap3A_7 = vector.load %arg3[%swap3A, %swap3A_6] : memref<512x128xf32, #tpu.memory_space<vmem>>, vector<512x128xf32>
    tpu.vector_store %arg3[%swap3A, %swap3A_6], %dot_general3A_5 {strides = array<i32>} : memref<512x128xf32, #tpu.memory_space<vmem>>, vector<512x128xf32>,
    return
  }
  func.func @transform_0(%arg0: i32) -> (i32, i32) {
    %c0_i32 = arith.constant 0 : i32
    %c0_i32_0 = arith.constant 0 : i32
    return %arg0, %c0_i32 : i32, i32
  }
  func.func @transform_1(%arg0: i32) -> (i32, i32) {
    %c0_i32 = arith.constant 0 : i32
    %c0_i32_0 = arith.constant 0 : i32
    %c0_i32_1 = arith.constant 0 : i32
    return %c0_i32, %c0_i32_0 : i32, i32
  }
  func.func @transform_2(%arg0: i32) -> (i32, i32) {
    %c0_i32 = arith.constant 0 : i32
    %c0_i32_0 = arith.constant 0 : i32
    return %arg0, %c0_i32 : i32, i32
  }
}

module attributes {stable_mosaic.version = 14 : i64} {
  func.func @_scale_body(%arg0: i32, %arg1: memref<512x128xf32, #tpu.memory_space<vmem>>, %arg2: memref<2x512x16xf32, #tpu.memory_space<vmem>>, %arg3: memref<512x128xf32, #tpu.memory_space<vmem>>, %arg4: memref<512x1xf32, #tpu.memory_space<vmem>>) attributes {dimension_semantics = [#tpu.dimension_semantics<arbitrary>], iteration_bounds = array<i64: 20>, scalar_prefetch = 0 : i64, scratch_operands = 0 : i64, tpu.core_type = #tpu.core_type<tc>, window_params = [{transform_indices = @transform_0, window_bounds = array<i64: 512, 128>}, {transform_indices = @transform_1, window_bounds = array<i64: 2, 512, 16>}, {transform_indices = @transform_2, window_bounds = array<i64: 512, 128>}, {transform_indices = @transform_3, window_bounds = array<i64: 512, 1>}]} {
    %get3A = arith.constant 0 : index
    %get3A_0 = arith.constant 0 : index
    %get3A_1 = arith.constant 0 : index
    %get3A_2 = vector.load %arg2[%get3A, %get3A_0, %get3A_1] : memref<2x512x16xf32, #tpu.memory_space<vmem>>, vector<2x512x16xf32>
    %slice3A = vector.extract_strided_slice %get3A_2 {offsets = [0, 0, 0], sizes = [1, 512, 16], strides = [1, 1, 1]} : vector<2x512x16xf32> to vector<1x512x16xf32>
    %squeeze3A = vector.shape_cast %slice3A : vector<1x512x16xf32> to vector<512x16xf32>
    %slice3A_3 = vector.extract_strided_slice %squeeze3A {offsets = [0, 0], sizes = [512, 1], strides = [1, 1]} : vector<512x16xf32> to vector<512x1xf32>
    %slice3A_4 = vector.extract_strided_slice %get3A_2 {offsets = [1, 0, 0], sizes = [1, 512, 16], strides = [1, 1, 1]} : vector<2x512x16xf32> to vector<1x512x16xf32>
    %squeeze3A_5 = vector.shape_cast %slice3A_4 : vector<1x512x16xf32> to vector<512x16xf32>
    %slice3A_6 = vector.extract_strided_slice %squeeze3A_5 {offsets = [0, 0], sizes = [512, 1], strides = [1, 1]} : vector<512x16xf32> to vector<512x1xf32>
    %add3A = arith.addf %slice3A_3, %slice3A_6 : vector<512x1xf32>
    %add3A_7 = arith.constant 1.000000e+00 : f32
    %add3A_8 = vector.broadcast %add3A_7 : f32 to vector<512x1xf32>
    %add3A_9 = arith.addf %add3A, %add3A_8 : vector<512x1xf32>
    %rsqrt3A = math.rsqrt %add3A_9 : vector<512x1xf32>
    %get3A_10 = arith.constant 0 : index
    %get3A_11 = arith.constant 0 : index
    %get3A_12 = vector.load %arg1[%get3A_10, %get3A_11] : memref<512x128xf32, #tpu.memory_space<vmem>>, vector<512x128xf32>
    %mul3A = vector.broadcast %rsqrt3A : vector<512x1xf32> to vector<512x128xf32>
    %mul3A_13 = arith.mulf %get3A_12, %mul3A : vector<512x128xf32>
    %swap3A = arith.constant 0 : index
    %swap3A_14 = arith.constant 0 : index
    %swap3A_15 = vector.load %arg3[%swap3A, %swap3A_14] : memref<512x128xf32, #tpu.memory_space<vmem>>, vector<512x128xf32>
    tpu.vector_store %arg3[%swap3A, %swap3A_14], %mul3A_13 {strides = array<i32>} : memref<512x128xf32, #tpu.memory_space<vmem>>, vector<512x128xf32>,
    %swap3A_16 = arith.constant 0 : index
    %swap3A_17 = arith.constant 0 : index
    %swap3A_18 = vector.load %arg4[%swap3A_16, %swap3A_17] : memref<512x1xf32, #tpu.memory_space<vmem>>, vector<512x1xf32>
    tpu.vector_store %arg4[%swap3A_16, %swap3A_17], %rsqrt3A {strides = array<i32>} : memref<512x1xf32, #tpu.memory_space<vmem>>, vector<512x1xf32>,
    return
  }
  func.func @transform_0(%arg0: i32) -> (i32, i32) {
    %c0_i32 = arith.constant 0 : i32
    %c0_i32_0 = arith.constant 0 : i32
    return %arg0, %c0_i32 : i32, i32
  }
  func.func @transform_1(%arg0: i32) -> (i32, i32, i32) {
    %c0_i32 = arith.constant 0 : i32
    %c0_i32_0 = arith.constant 0 : i32
    %c0_i32_1 = arith.constant 0 : i32
    return %c0_i32, %arg0, %c0_i32_0 : i32, i32, i32
  }
  func.func @transform_2(%arg0: i32) -> (i32, i32) {
    %c0_i32 = arith.constant 0 : i32
    %c0_i32_0 = arith.constant 0 : i32
    return %arg0, %c0_i32 : i32, i32
  }
  func.func @transform_3(%arg0: i32) -> (i32, i32) {
    %c0_i32 = arith.constant 0 : i32
    %c0_i32_0 = arith.constant 0 : i32
    return %arg0, %c0_i32 : i32, i32
  }
}

module attributes {stable_mosaic.version = 14 : i64} {
  func.func @_mm2_body(%arg0: i32, %arg1: memref<2x512x128xf32, #tpu.memory_space<vmem>>, %arg2: memref<512x1xf32, #tpu.memory_space<vmem>>, %arg3: memref<1x128xf32, #tpu.memory_space<vmem>>, %arg4: memref<128x128xf32, #tpu.memory_space<vmem>>, %arg5: memref<512x128xf32, #tpu.memory_space<vmem>>) attributes {dimension_semantics = [#tpu.dimension_semantics<arbitrary>], iteration_bounds = array<i64: 20>, scalar_prefetch = 0 : i64, scratch_operands = 0 : i64, tpu.core_type = #tpu.core_type<tc>, window_params = [{transform_indices = @transform_0, window_bounds = array<i64: 2, 512, 128>}, {transform_indices = @transform_1, window_bounds = array<i64: 512, 1>}, {pipeline_mode = #tpu.pipeline_mode<synchronous>, transform_indices = @transform_2, window_bounds = array<i64: 1, 128>}, {pipeline_mode = #tpu.pipeline_mode<synchronous>, transform_indices = @transform_3, window_bounds = array<i64: 128, 128>}, {transform_indices = @transform_4, window_bounds = array<i64: 512, 128>}]} {
    %get3A = arith.constant 0 : index
    %get3A_0 = arith.constant 0 : index
    %get3A_1 = arith.constant 0 : index
    %get3A_2 = vector.load %arg1[%get3A, %get3A_0, %get3A_1] : memref<2x512x128xf32, #tpu.memory_space<vmem>>, vector<2x512x128xf32>
    %get3A_3 = arith.constant 0 : index
    %get3A_4 = arith.constant 0 : index
    %get3A_5 = vector.load %arg2[%get3A_3, %get3A_4] : memref<512x1xf32, #tpu.memory_space<vmem>>, vector<512x1xf32>
    %slice3A = vector.extract_strided_slice %get3A_2 {offsets = [0, 0, 0], sizes = [1, 512, 128], strides = [1, 1, 1]} : vector<2x512x128xf32> to vector<1x512x128xf32>
    %squeeze3A = vector.shape_cast %slice3A : vector<1x512x128xf32> to vector<512x128xf32>
    %slice3A_6 = vector.extract_strided_slice %get3A_2 {offsets = [1, 0, 0], sizes = [1, 512, 128], strides = [1, 1, 1]} : vector<2x512x128xf32> to vector<1x512x128xf32>
    %squeeze3A_7 = vector.shape_cast %slice3A_6 : vector<1x512x128xf32> to vector<512x128xf32>
    %add3A = arith.addf %squeeze3A, %squeeze3A_7 : vector<512x128xf32>
    %mul3A = vector.broadcast %get3A_5 : vector<512x1xf32> to vector<512x128xf32>
    %mul3A_8 = arith.mulf %add3A, %mul3A : vector<512x128xf32>
    %get3A_9 = arith.constant 0 : index
    %get3A_10 = arith.constant 0 : index
    %get3A_11 = vector.load %arg3[%get3A_9, %get3A_10] : memref<1x128xf32, #tpu.memory_space<vmem>>, vector<1x128xf32>
    %add3A_12 = vector.broadcast %get3A_11 : vector<1x128xf32> to vector<512x128xf32>
    %add3A_13 = arith.addf %mul3A_8, %add3A_12 : vector<512x128xf32>
    %max3A = arith.constant 0.000000e+00 : f32
    %max3A_14 = vector.broadcast %max3A : f32 to vector<512x128xf32>
    %max3A_15 = arith.maximumf %add3A_13, %max3A_14 : vector<512x128xf32>
    %get3A_16 = arith.constant 0 : index
    %get3A_17 = arith.constant 0 : index
    %get3A_18 = vector.load %arg4[%get3A_16, %get3A_17] : memref<128x128xf32, #tpu.memory_space<vmem>>, vector<128x128xf32>
    %dot_general3A = arith.constant dense<0.000000e+00> : vector<512x128xf32>
    %dot_general3A_19 = tpu.matmul %max3A_15, %get3A_18, %dot_general3A {dimension_numbers = #tpu.dot_dimension_numbers<[1], [0], [0], [1], [0, 0, 1, 1], [], []>, transpose_lhs_hint = false} : vector<512x128xf32>, vector<128x128xf32>, vector<512x128xf32> -> vector<512x128xf32>
    %mul3A_20 = vector.broadcast %get3A_5 : vector<512x1xf32> to vector<512x128xf32>
    %mul3A_21 = arith.mulf %dot_general3A_19, %mul3A_20 : vector<512x128xf32>
    %swap3A = arith.constant 0 : index
    %swap3A_22 = arith.constant 0 : index
    %swap3A_23 = vector.load %arg5[%swap3A, %swap3A_22] : memref<512x128xf32, #tpu.memory_space<vmem>>, vector<512x128xf32>
    tpu.vector_store %arg5[%swap3A, %swap3A_22], %mul3A_21 {strides = array<i32>} : memref<512x128xf32, #tpu.memory_space<vmem>>, vector<512x128xf32>,
    return
  }
  func.func @transform_0(%arg0: i32) -> (i32, i32, i32) {
    %c0_i32 = arith.constant 0 : i32
    %c0_i32_0 = arith.constant 0 : i32
    %c0_i32_1 = arith.constant 0 : i32
    return %c0_i32, %arg0, %c0_i32_0 : i32, i32, i32
  }
  func.func @transform_1(%arg0: i32) -> (i32, i32) {
    %c0_i32 = arith.constant 0 : i32
    %c0_i32_0 = arith.constant 0 : i32
    return %arg0, %c0_i32 : i32, i32
  }
  func.func @transform_2(%arg0: i32) -> (i32, i32) {
    %c0_i32 = arith.constant 0 : i32
    %c0_i32_0 = arith.constant 0 : i32
    %c0_i32_1 = arith.constant 0 : i32
    return %c0_i32, %c0_i32_0 : i32, i32
  }
  func.func @transform_3(%arg0: i32) -> (i32, i32) {
    %c0_i32 = arith.constant 0 : i32
    %c0_i32_0 = arith.constant 0 : i32
    %c0_i32_1 = arith.constant 0 : i32
    return %c0_i32, %c0_i32_0 : i32, i32
  }
  func.func @transform_4(%arg0: i32) -> (i32, i32) {
    %c0_i32 = arith.constant 0 : i32
    %c0_i32_0 = arith.constant 0 : i32
    return %arg0, %c0_i32 : i32, i32
  }
}

module attributes {stable_mosaic.version = 14 : i64} {
  func.func @_out_body(%arg0: i32, %arg1: memref<2x512x128xf32, #tpu.memory_space<vmem>>, %arg2: memref<512x1xf32, #tpu.memory_space<vmem>>, %arg3: memref<1x128xf32, #tpu.memory_space<vmem>>, %arg4: memref<512x128xf32, #tpu.memory_space<vmem>>) attributes {dimension_semantics = [#tpu.dimension_semantics<arbitrary>], iteration_bounds = array<i64: 20>, scalar_prefetch = 0 : i64, scratch_operands = 0 : i64, tpu.core_type = #tpu.core_type<tc>, window_params = [{transform_indices = @transform_0, window_bounds = array<i64: 2, 512, 128>}, {transform_indices = @transform_1, window_bounds = array<i64: 512, 1>}, {pipeline_mode = #tpu.pipeline_mode<synchronous>, transform_indices = @transform_2, window_bounds = array<i64: 1, 128>}, {transform_indices = @transform_3, window_bounds = array<i64: 512, 128>}]} {
    %get3A = arith.constant 0 : index
    %get3A_0 = arith.constant 0 : index
    %get3A_1 = arith.constant 0 : index
    %get3A_2 = vector.load %arg1[%get3A, %get3A_0, %get3A_1] : memref<2x512x128xf32, #tpu.memory_space<vmem>>, vector<2x512x128xf32>
    %slice3A = vector.extract_strided_slice %get3A_2 {offsets = [0, 0, 0], sizes = [1, 512, 128], strides = [1, 1, 1]} : vector<2x512x128xf32> to vector<1x512x128xf32>
    %squeeze3A = vector.shape_cast %slice3A : vector<1x512x128xf32> to vector<512x128xf32>
    %slice3A_3 = vector.extract_strided_slice %get3A_2 {offsets = [1, 0, 0], sizes = [1, 512, 128], strides = [1, 1, 1]} : vector<2x512x128xf32> to vector<1x512x128xf32>
    %squeeze3A_4 = vector.shape_cast %slice3A_3 : vector<1x512x128xf32> to vector<512x128xf32>
    %add3A = arith.addf %squeeze3A, %squeeze3A_4 : vector<512x128xf32>
    %get3A_5 = arith.constant 0 : index
    %get3A_6 = arith.constant 0 : index
    %get3A_7 = vector.load %arg2[%get3A_5, %get3A_6] : memref<512x1xf32, #tpu.memory_space<vmem>>, vector<512x1xf32>
    %mul3A = vector.broadcast %get3A_7 : vector<512x1xf32> to vector<512x128xf32>
    %mul3A_8 = arith.mulf %add3A, %mul3A : vector<512x128xf32>
    %get3A_9 = arith.constant 0 : index
    %get3A_10 = arith.constant 0 : index
    %get3A_11 = vector.load %arg3[%get3A_9, %get3A_10] : memref<1x128xf32, #tpu.memory_space<vmem>>, vector<1x128xf32>
    %add3A_12 = vector.broadcast %get3A_11 : vector<1x128xf32> to vector<512x128xf32>
    %add3A_13 = arith.addf %mul3A_8, %add3A_12 : vector<512x128xf32>
    %swap3A = arith.constant 0 : index
    %swap3A_14 = arith.constant 0 : index
    %swap3A_15 = vector.load %arg4[%swap3A, %swap3A_14] : memref<512x128xf32, #tpu.memory_space<vmem>>, vector<512x128xf32>
    tpu.vector_store %arg4[%swap3A, %swap3A_14], %add3A_13 {strides = array<i32>} : memref<512x128xf32, #tpu.memory_space<vmem>>, vector<512x128xf32>,
    return
  }
  func.func @transform_0(%arg0: i32) -> (i32, i32, i32) {
    %c0_i32 = arith.constant 0 : i32
    %c0_i32_0 = arith.constant 0 : i32
    %c0_i32_1 = arith.constant 0 : i32
    return %c0_i32, %arg0, %c0_i32_0 : i32, i32, i32
  }
  func.func @transform_1(%arg0: i32) -> (i32, i32) {
    %c0_i32 = arith.constant 0 : i32
    %c0_i32_0 = arith.constant 0 : i32
    return %arg0, %c0_i32 : i32, i32
  }
  func.func @transform_2(%arg0: i32) -> (i32, i32) {
    %c0_i32 = arith.constant 0 : i32
    %c0_i32_0 = arith.constant 0 : i32
    %c0_i32_1 = arith.constant 0 : i32
    return %c0_i32, %c0_i32_0 : i32, i32
  }
  func.func @transform_3(%arg0: i32) -> (i32, i32) {
    %c0_i32 = arith.constant 0 : i32
    %c0_i32_0 = arith.constant 0 : i32
    return %arg0, %c0_i32 : i32, i32
  }
}

</mosaic_0001>

<sc_bundles>
// kernel: kernel.12.cloned.1.call-start
scs
__scs_entry_jumppad:
0x0: {  	(pc) =	sbr.rel $0x88, $3  }
0x1: {  	(tag) =	ssettag $0x0;
	lr =	simm.s32 $0x1  }
0x2: {  	[smem:$0x3F9B] =	sst lr;
	_ =	strace $0xD0000000  }
0x3: {  	_ = 	snop  }
0x4: {  	_ = 	snop  }
0x5: {  	_ = 	snop  }
0x6: {  	_ = 	snop  }
0x7: {  	_ = 	snop  }
__scs_overlays_trampoline_lowered:
0x8: {  	[smem:$0x3FAA] =	sst s0  }
0x9: {  	[smem:$0x3FAB] =	sst s1  }
0xa: {  	[smem:$0x3FAC] =	sst s2  }
0xb: {  	[smem:$0x3FAD] =	sst s3  }
0xc: {  	[smem:$0x3FAE] =	sst s4  }
0xd: {  	[smem:$0x3FAF] =	sst s5  }
0xe: {  	[smem:$0x3FB0] =	sst s6  }
0xf: {  	[smem:$0x3FB1] =	sst s7  }
0x10: {  	[smem:$0x3FB2] =	sst s8  }
0x11: {  	[smem:$0x3FB3] =	sst s9;
	s0 =	simm.s32 @!p0 $0x0  }
0x12: {  	s1 =	sld [smem:$0x3F99];
	s0 =	simm.s32 @p0 $0x1  }
0x13: {  	[smem:$0x3FB4] =	sst s0;
	s0 =	simm.s32 @!p1 $0x0  }
0x14: {  	s2 =	sld [smem:$0x3F98];
	s0 =	simm.s32 @p1 $0x1  }
0x15: {  	[smem:$0x3FB5] =	sst s0;
	s0 =	simm.s32 @!p2 $0x0  }
0x16: {  	s3 =	sld [smem:$0x3FDB];
	s0 =	simm.s32 @p2 $0x1  }
0x17: {  	s4 =	simm.s32 $0x1BF5;
	[smem:$0x3FB7] =	sst s0  }
0x18: {  	s0 =	sld [smem:$0x3F9A];
	_ =	swait.ge [sflag:s4], $0x0  }
0x19: {  	s7 =	sld [smem:$0x3F9B]  }
0x1a: {  	s8 =	sadd.s32 $0xFFFFE003, lr  }
0x1b: {  	s9 =	sadd.s32 $0xFFFFFEF7, lr;
	s5 =	simm.s32 $0xFFFFFFFF;
	p2 =	slt.u32 s8, $0xFFFFF086  }
0x1c: {  	p1 =	slt.u32 s9, $0xF7A;
	s5 =	simm.s32 @!p2 $0x0  }
0x1d: {  	s5 =	simm.s32 @p1 $0x1;
	p0 =	seq.s32 s7, s2  }
0x1e: {  	s7 =	smul.u32 @!p0 $0xF7A, s2;
	p2 =	seq.s32 @!p0 s5, $0x0  }
0x1f: {  	s9 =	smul.u32 $0xF7A, s1;
	s8 =	simm.s32 @!p0 $0x1BF5;
	p2 =	por !p2, p0  }
0x20: {  	[sflag:s8] =	ssyncset.s32 @!p0 $0xFFFFF086;
	s6 =	sadd.s32 @!p0 s3, s7;
	s7 =	simm.s32 @!p0 $0x108  }
0x21: {  	s3 =	sadd.s32 s3, s9;
	s6 =	sadd.s32 @!p0 $0x88, s6;
	s7 =	simm.s32 @p2 $0x1082  }
0x22: {  	[simem:s7], [sflag:s8] =	dma.local @!p0 [hbm:s6], $0xF7A  }
0x23: {  	s9 =	sor.u32 $0xD0000000, s2;
	s6 =	simm.s32 $0x108;
	_ =	swait.ge @!p0 [sflag:s8], $0x0  }
0x24: {  	s3 =	sadd.s32 $0x88, s3;
	s6 =	simm.s32 @!p1 $0x1082;
	[sflag:s4] =	ssyncset.s32 $0xFFFFF086  }
0x25: {  	[simem:s6], [sflag:s4] =	dma.local [hbm:s3], $0xF7A  }
0x26: {  	[smem:$0x3F9B] =	sst s1;
	(tag) =	ssettag s2;
	_ =	strace s9  }
0x27: {  	s1 =	sld [smem:$0x3FAB]  }
0x28: {  	s2 =	sld [smem:$0x3FAC]  }
0x29: {  	s4 =	sld [smem:$0x3FAE]  }
0x2a: {  	p0 =	seq.s32 s5, $0x0;
	s5 =	sld [smem:$0x3FAF]  }
0x2b: {  	s6 =	sld [smem:$0x3FB0]  }
0x2c: {  	s7 =	sld [smem:$0x3FB1]  }
0x2d: {  	s3 =	simm.s32 $0x108;
	s8 =	sld [smem:$0x3FB2]  }
0x2e: {  	s3 =	simm.s32 @!p0 $0x1082;
	s9 =	sld [smem:$0x3FB3]  }
0x2f: {  	lr =	sadd.s32 s0, s3;
	s0 =	sld [smem:$0x3FAA]  }
0x30: {  	s3 =	sld [smem:$0x3FAD]  }
0x31: {  	[smem:$0x3FB6] =	sst s10  }
0x32: {  	s10 =	sld [smem:$0x3FB4];
	_ =	sdelay $0x3  }
0x33: {  	p0 =	seq.s32 s10, $0x1;
	s10 =	sld [smem:$0x3FB6];
	_ =	sdelay $0x3  }
0x34: {  	[smem:$0x3FB6] =	sst s10  }
0x35: {  	s10 =	sld [smem:$0x3FB5];
	_ =	sdelay $0x3  }
0x36: {  	p1 =	seq.s32 s10, $0x1;
	s10 =	sld [smem:$0x3FB6];
	_ =	sdelay $0x3  }
0x37: {  	[smem:$0x3FB6] =	sst s10  }
0x38: {  	s10 =	sld [smem:$0x3FB7]  }
0x39: {  	_ = 	snop;
	(pc) =	sbr.ind lr, $3  }
0x3a: {  	_ = 	snop  }
0x3b: {  	_ = 	snop  }
0x3c: {  	p2 =	seq.s32 s10, $0x1;
	s10 =	sld [smem:$0x3FB6]  }
0x3d: {  	_ =	shalt  }
0x3e: {  	_ =	shalt  }
0x3f: {  	_ =	shalt  }
0x40: {  	_ =	shalt  }
0x41: {  	_ =	shalt  }
0x42: {  	_ =	shalt  }
0x43: {  	_ =	shalt  }
0x44: {  	_ =	shalt  }
0x45: {  	_ =	shalt  }
0x46: {  	_ =	shalt  }
0x47: {  	_ =	shalt  }
0x48: {  	_ =	shalt  }
0x49: {  	_ =	shalt  }
0x4a: {  	_ =	shalt  }
0x4b: {  	_ =	shalt  }
0x4c: {  	_ =	shalt  }
0x4d: {  	_ =	shalt  }
0x4e: {  	_ =	shalt  }
0x4f: {  	_ =	shalt  }
0x50: {  	_ =	shalt  }
0x51: {  	_ =	shalt  }
0x52: {  	_ =	shalt  }
0x53: {  	_ =	shalt  }
0x54: {  	_ =	shalt  }
0x55: {  	_ =	shalt  }
0x56: {  	_ =	shalt  }
0x57: {  	_ =	shalt  }
0x58: {  	_ =	shalt  }
0x59: {  	_ =	shalt  }
0x5a: {  	_ =	shalt  }
0x5b: {  	_ =	shalt  }
0x5c: {  	_ =	shalt  }
0x5d: {  	_ =	shalt  }
0x5e: {  	_ =	shalt  }
0x5f: {  	_ =	shalt  }
0x60: {  	_ =	shalt  }
0x61: {  	_ =	shalt  }
0x62: {  	_ =	shalt  }
0x63: {  	_ =	shalt  }
0x64: {  	_ =	shalt  }
0x65: {  	_ =	shalt  }
0x66: {  	_ =	shalt  }
0x67: {  	_ =	shalt  }
0x68: {  	_ =	shalt  }
0x69: {  	_ =	shalt  }
0x6a: {  	_ =	shalt  }
0x6b: {  	_ =	shalt  }
0x6c: {  	_ =	shalt  }
0x6d: {  	_ =	shalt  }
0x6e: {  	_ =	shalt  }
0x6f: {  	_ =	shalt  }
0x70: {  	_ =	shalt  }
0x71: {  	_ =	shalt  }
0x72: {  	_ =	shalt  }
0x73: {  	_ =	shalt  }
0x74: {  	_ =	shalt  }
0x75: {  	_ =	shalt  }
0x76: {  	_ =	shalt  }
0x77: {  	_ =	shalt  }
0x78: {  	_ =	shalt  }
0x79: {  	_ =	shalt  }
0x7a: {  	_ =	shalt  }
0x7b: {  	_ =	shalt  }
0x7c: {  	_ =	shalt  }
0x7d: {  	_ =	shalt  }
0x7e: {  	_ =	shalt  }
0x7f: {  	_ =	shalt  }
0x80: {  	_ =	shalt  }
0x81: {  	_ =	shalt  }
0x82: {  	_ =	shalt  }
0x83: {  	_ =	shalt  }
0x84: {  	_ =	shalt  }
0x85: {  	_ =	shalt  }
0x86: {  	_ =	shalt  }
0x87: {  	_ =	shalt  }
.Lfunc_end0:
.L_simem_size_0:
called_computation.1_lowered:
.L_overlay_start_0:
0x88: {  	s2 =	sld [smem:$0x3FD9]  }
0x89: {  	s3 =	sld [smem:$0x3FFE];
	_ =	sdelay $0x1  }
0x8a: {  	s1 =	srdreg.scid  }
0x8b: {  	s0 =	sand.u32 $0x1, s1  }
0x8c: {  	s17 =	sshll.u32 s0, $0xA;
	s2 =	sadd.s32 s3, s2  }
0x8d: {  	s2 =	sadd.s32 s2, s17  }
0x8e: {  	[smem:$0x3FC2] =	sst s2  }
0x8f: {  	_ = 	snop  }
0x90: {  	s2 =	sld [smem:$0x3FD0];
	(tm) =	ssettm $0x1  }
0x91: {  	s18 =	sld [smem:$0x3FFB];
	_ =	sdelay $0x3  }
0x92: {  	_ =	strace s18  }
0x93: {  	s3 =	sld [smem:$0x3FFC];
	_ =	sdelay $0x3  }
0x94: {  	_ =	strace s3  }
0x95: {  	s3 =	sld [smem:$0x3FFD];
	_ =	sdelay $0x3  }
0x96: {  	_ =	strace s3  }
0x97: {  	_ =	strace $0x8FFFFFFF  }
0x98: {  	s19 =	sld [smem:$0x3FDB];
	_ =	sdelay $0x1  }
0x99: {  	s4 =	simm.s32 $_scs_section_size  }
0x9a: {  	s5 =	simm.s32 $_size__tile_overlayer_lowered;
	s6 =	simm.s32 $_tile_overlayer_lowered  }
0x9b: {  	s22 =	simm.s32 $0x1BFF;
	s21 =	sshll.u32 s6, $0x1;
	s3 =	sadd.s32 s4, s19  }
0x9c: {  	s7 =	simm.s32 $0x0;
	s20 =	sshll.u32 s5, $0x1;
	s5 =	sadd.s32 s21, s3  }
0x9d: {  	[timem:s7], [sflag:s22] =	dma.local [hbm:s5], s20  }
0x9e: {  	_ =	swait.ge [sflag:s22], s20  }
0x9f: {  	s4 =	ssub.s32 $0x0, s20;
	[sflag:s22] =	ssyncset.done $0x0  }
0xa0: {  	[sflag:s22] =	ssyncadd.s32 s4;
	_ =	sdelay $0x1  }
0xa1: {  	s23 =	simm.s32 $0x1B8B  }
0xa2: {  	_ =	swait.ge [sflag:s23], $0x1  }
0xa3: {  	[sflag:s23] =	ssyncset.done $0x0  }
0xa4: {  	s25 =	simm.s32 $0x1B8E;
	s24 =	sld [smem:$0x3FFE];
	[sflag:s23] =	ssyncadd.s32 $0xFFFFFFFF  }
0xa5: {  	s26 =	simm.s32 $execute0_lowered;
	[smem:$0x3FD2] =	sst s25  }
0xa6: {  	s5 =	sshll.u32 s26, $0x1;
	_ =	strace $0x80000049;
	[dreg:$0x1] =	wrdreg $0xFFFFFFFF  }
0xa7: {  	s28 =	simm.s32 $_size_execute0_lowered;
	s3 =	sadd.s32 s3, s5;
	[dreg:$0x0] =	wrdreg $0x0  }
0xa8: {  	s5 =	sshll.u32 s28, $0x1;
	[dreg:$0x2] =	wrdreg s3  }
0xa9: {  	[dreg:$0x3] =	wrdreg s5  }
0xaa: {  	[dreg:$0x4] =	wrdreg $0xC0  }
0xab: {  	_ =	task [dreg:s7], $0x5FFFF  }
0xac: {  	[dreg:$0x1] =	wrdreg $0xFFFFFFFF  }
0xad: {  	[dreg:$0x0] =	wrdreg $0x60  }
0xae: {  	[dreg:$0x2] =	wrdreg s24  }
0xaf: {  	[dreg:$0x3] =	wrdreg s2  }
0xb0: {  	[dreg:$0x4] =	wrdreg $0x0  }
0xb1: {  	[dreg:$0x5] =	wrdreg $0x9  }
0xb2: {  	_ =	task.clear_ibuf [dreg:s7], $0x6FFFF;
	_ =	strace $0x90000049  }
0xb3: {  	s29 =	simm.s32 $0x9;
	_ =	strace $0x8000004B  }
0xb4: {  	_ =	swait.ge [sflag:s29], $0x1  }
0xb5: {  	[sflag:s29] =	ssyncadd.s32 $0xFFFFFFFF  }
0xb6: {  	_ =	strace $0x9000004B  }
0xb7: {  	_ =	sfence  }
0xb8: {  	s30 =	sld [smem:$0x0];
	_ =	sdelay $0x2  }
0xb9: {  	s31 =	sshll.u32 s1, $0xD;
	s1 =	sshrl.u32 s1, $0x2  }
0xba: {  	s3 =	sand.u32 $0x4000, s31;
	s1 =	sadd.s32 s1, s30  }
0xbb: {  	s0 =	sor.u32 s3, s0;
	s1 =	sshll.u32 s1, $0x11  }
0xbc: {  	s0 =	sor.u32 s1, s0  }
0xbd: {  	s0 =	sadd.s32 $0x8F2B, s0  }
0xbe: {  	[sflag:s0] =	ssyncadd.remote.s32 $0x1  }
0xbf: {  	_ =	sfence.sel $0xFFFF  }
0xc0: {  	[dreg:$0x0] =	wrdreg $0xFFFFFFFF;
	(pc) =	sbr.abs _section_cstart, $3  }
0xc1: {  	[dreg:$0x1] =	wrdreg $0xFFFFFFFF  }
0xc2: {  	_ =	task.clear_ibuf [dreg:s7], $0x2FFFF;
	_ =	strace $0x9FFFFFFF  }
0xc3: {  	(tm) =	ssettm $0x7FFFFFFF  }
tec
execute0_lowered:
.L_overlay_start_1:
0x0: {  	(tag) =	ssettag $0x1  }
0x1: {  	s0 =	rddreg [dreg:$0x0];
	s1 =	srdreg.scid  }
0x2: {  	s13 =	stileid.u32;
	s3 =	rddreg [dreg:$0x2]  }
0x3: {  	s4 =	simm.s32 $0x0;
	s15 =	simm.s32 $0x14000;
	s17 =	simm.s32 $0x4  }
0x4: {  	s18 =	simm.s32 $0x1;
	s19 =	simm.s32 $0x2;
	s20 =	simm.s32 $0x40  }
0x5: {  	s21 =	simm.s32 $0x18E80;
	s23 =	simm.s32 $0x1AE80;
	s28 =	simm.s32 $0x5  }
0x6: {  	s29 =	simm.s32 $0x3;
	s31 =	simm.s32 $0x16700;
	s16 =	simm.s32 $0x0  }
0x7: {  	s1 =	sand.u32 $0x1, s1;
	s2 =	sshll.u32 s13, $0x1;
	s8 =	smul.u32 $0x14000, s13  }
0x8: {  	[smem:$0x7FF] =	sst s4;
	s5 =	sadd.s32 $0x16400, s0;
	s10 =	smul.u32 $0x50000, s13  }
0x9: {  	s2 =	sor.u32 s1, s2;
	s6 =	smul.u32 $0x28000, s1;
	_ =	strace $0x8000004A  }
0xa: {  	s7 =	ssub.s32 $0x2, s1;
	p0 =	seq.s32 s1, $0x1;
	s1 =	simm.s32 $0x18DC0  }
0xb: {  	s2 =	smul.u32 $0x4E8, s2;
	s9 =	sshrl.u32 s7, $0x1;
	s26 =	sshrl.u32 s8, $0x3  }
0xc: {  	s30 =	sshrl.u32 s10, $0x2;
	s11 =	ssub.s32 s7, s9;
	s7 =	sadd.s32 s5, s26  }
0xd: {  	s12 =	sadd.s32 s30, s3;
	s2 =	sadd.s32 s2, s0;
	s0 =	sadd.s32 s6, s0  }
0xe: {  	s6 =	sadd.s32 s8, s3;
	s10 =	smax.u32 s11, $0x1;
	s12 =	sshrl.u32 @p0 s12, $0x3  }
0xf: {  	s8 =	sadd.s32 $0xC600, s2;
	s9 =	sadd.s32 $0x2000, s2;
	s0 =	sadd.s32 $0x3E400, s0  }
0x10: {  	s2 =	sshll.u32 @p0 s13, $0x6;
	s13 =	sshll.u32 @!p0 s13, $0x6;
	s14 =	sshrl.u32 @!p0 s6, $0x3  }
0x11: {  	s11 =	sor.u32 @p0 $0x1C04, s2;
	s13 =	sor.u32 @!p0 $0x1C04, s13;
	s24 =	sadd.s32 s26, s0  }
0x12: {  	s26 =	simm.s32 $0x1CE80;
	s2 =	simm.s32 $0x18E00;
	s0 =	simm.s32 $0x18E40  }
.LBB2_1:
0x13: {  	s22 =	rddreg [dreg:$0x1]  }
0x14: {  	[spmem:s12], [sflag:s11] =	dma.local @p0 [hbm:s22], $0x2800  }
0x15: {  	[spmem:s14], [sflag:s13] =	dma.local @!p0 [hbm:s7], $0x2800  }
0x16: {  	[tilespmem:s15], [sflag:$0x1] =	stream.linear.gather [hbm4b:s8+s4], $0x2740, $0x38;
	[tilespmem:$0x1EE80] =	vst v63  }
0x17: {  	s25 =	simm.s32 $0x16740  }
0x18: {  	[tilespmem:s25], [sflag:$0x2] =	stream.linear.gather [hbm4b:s9+s4], $0x2740, $0x38;
	[tilespmem:$0x1EE80] =	vst v63  }
0x19: {  	_ =	swait.ge [sflag:s17], $0x2800  }
0x1a: {  	[sflag:s17] =	ssyncset.done $0x0  }
0x1b: {  	[sflag:s17] =	ssyncadd.s32 $0xFFFFD800  }
0x1c: {  	_ =	swait.ge [sflag:s18], $0x2740  }
0x1d: {  	[sflag:s18] =	ssyncset.done $0x0  }
0x1e: {  	[sflag:s18] =	ssyncadd.s32 $0xFFFFD8C0  }
0x1f: {  	_ =	swait.ge [sflag:s19], $0x2740  }
0x20: {  	[sflag:s19] =	ssyncset.done $0x0  }
0x21: {  	[sflag:s19] =	ssyncadd.s32 $0xFFFFD8C0  }
0x22: {  	[bflag:$0x0] =	sbarrier.arrive $0xFFFF  }
0x23: {  	[tilespmem:s21], [sflag:$0x1] =	stream.indirect.gather [hbm4b:s5+s20], $0x80, s15, s20, $0xb8;
	[tilespmem:$0x1EE80] =	vst v63  }
0x24: {  	s30 =	simm.s32 $0x14040  }
0x25: {  	[tilespmem:s23], [sflag:$0x2] =	stream.indirect.gather [hbm4b:s5+s20], $0x80, s30, s20, $0xb8;
	[tilespmem:$0x1EE80] =	vst v63  }
0x26: {  	s25 =	simm.s32 $0x14080  }
0x27: {  	[tilespmem:s26], [sflag:$0x3] =	stream.indirect.gather [hbm4b:s5+s20], $0x80, s25, s20, $0xb8;
	[tilespmem:$0x1EE80] =	vst v63  }
0x28: {  	_ =	swait.ge [sflag:s18], $0x2000  }
0x29: {  	[sflag:s18] =	ssyncset.done $0x0  }
0x2a: {  	s30 =	simm.s32 $0x16740;
	[sflag:s18] =	ssyncadd.s32 $0xFFFFE000  }
0x2b: {  	[spmem:s3] =	stream.indirect.scatter.add.f32 [tilespmem:s21], [sflag:$0x5], $0x80, s30, s20, $0xb8;
	[tilespmem:$0x1EE80] =	vst v63  }
0x2c: {  	_ =	swait.ge [sflag:s28], $0x2000  }
0x2d: {  	[sflag:s28] =	ssyncset.done $0x0  }
0x2e: {  	s25 =	simm.s32 $0x140C0;
	[sflag:s28] =	ssyncadd.s32 $0xFFFFE000  }
0x2f: {  	[tilespmem:s21], [sflag:$0x1] =	stream.indirect.gather [hbm4b:s5+s20], $0x80, s25, s20, $0xb8;
	[tilespmem:$0x1EE80] =	vst v63  }
0x30: {  	_ =	swait.ge [sflag:s19], $0x2000  }
0x31: {  	[sflag:s19] =	ssyncset.done $0x0  }
0x32: {  	s30 =	simm.s32 $0x16780;
	[sflag:s19] =	ssyncadd.s32 $0xFFFFE000  }
0x33: {  	[spmem:s3] =	stream.indirect.scatter.add.f32 [tilespmem:s23], [sflag:$0x5], $0x80, s30, s20, $0xb8;
	[tilespmem:$0x1EE80] =	vst v63  }
0x34: {  	_ =	swait.ge [sflag:s28], $0x2000  }
0x35: {  	[sflag:s28] =	ssyncset.done $0x0  }
0x36: {  	s25 =	simm.s32 $0x14100;
	[sflag:s28] =	ssyncadd.s32 $0xFFFFE000  }
0x37: {  	[tilespmem:s23], [sflag:$0x2] =	stream.indirect.gather [hbm4b:s5+s20], $0x80, s25, s20, $0xb8;
	[tilespmem:$0x1EE80] =	vst v63  }
0x38: {  	_ =	swait.ge [sflag:s29], $0x2000  }
0x39: {  	[sflag:s29] =	ssyncset.done $0x0  }
0x3a: {  	s30 =	simm.s32 $0x167C0;
	[sflag:s29] =	ssyncadd.s32 $0xFFFFE000  }
0x3b: {  	[spmem:s3] =	stream.indirect.scatter.add.f32 [tilespmem:s26], [sflag:$0x5], $0x80, s30, s20, $0xb8;
	[tilespmem:$0x1EE80] =	vst v63  }
0x3c: {  	_ =	swait.ge [sflag:s28], $0x2000  }
0x3d: {  	[sflag:s28] =	ssyncset.done $0x0  }
0x3e: {  	s22 =	simm.s32 $0x300;
	s25 =	simm.s32 $0x14140;
	[sflag:s28] =	ssyncadd.s32 $0xFFFFE000  }
.LBB2_2:
0x3f: {  	[tilespmem:s26], [sflag:$0x3] =	stream.indirect.gather [hbm4b:s5+s20], $0x80, s25, s20, $0xb8;
	[tilespmem:$0x1EE80] =	vst v63  }
0x40: {  	s25 =	smov.u32 s22  }
0x41: {  	p1 =	sne.s32 s22, $0x9600;
	s22 =	sadd.s32 $0x300, s22;
	_ =	swait.ge [sflag:s18], $0x2000  }
0x42: {  	s25 =	sshra.s32 s25, $0x2;
	[sflag:s18] =	ssyncset.done $0x0  }
0x43: {  	s30 =	sadd.s32 $0x16740, s25;
	[sflag:s18] =	ssyncadd.s32 $0xFFFFE000  }
0x44: {  	[spmem:s3] =	stream.indirect.scatter.add.f32 [tilespmem:s21], [sflag:$0x5], $0x80, s30, s20, $0xb8;
	[tilespmem:$0x1EE80] =	vst v63  }
0x45: {  	_ =	swait.ge [sflag:s28], $0x2000  }
0x46: {  	[sflag:s28] =	ssyncset.done $0x0  }
0x47: {  	s30 =	sadd.s32 $0x140C0, s25;
	[sflag:s28] =	ssyncadd.s32 $0xFFFFE000  }
0x48: {  	[tilespmem:s21], [sflag:$0x1] =	stream.indirect.gather [hbm4b:s5+s20], $0x80, s30, s20, $0xb8;
	[tilespmem:$0x1EE80] =	vst v63  }
0x49: {  	_ =	swait.ge [sflag:s19], $0x2000  }
0x4a: {  	[sflag:s19] =	ssyncset.done $0x0  }
0x4b: {  	s30 =	sadd.s32 $0x16780, s25;
	[sflag:s19] =	ssyncadd.s32 $0xFFFFE000  }
0x4c: {  	[spmem:s3] =	stream.indirect.scatter.add.f32 [tilespmem:s23], [sflag:$0x5], $0x80, s30, s20, $0xb8;
	[tilespmem:$0x1EE80] =	vst v63  }
0x4d: {  	_ =	swait.ge [sflag:s28], $0x2000  }
0x4e: {  	[sflag:s28] =	ssyncset.done $0x0  }
0x4f: {  	s30 =	sadd.s32 $0x14100, s25;
	[sflag:s28] =	ssyncadd.s32 $0xFFFFE000  }
0x50: {  	[tilespmem:s23], [sflag:$0x2] =	stream.indirect.gather [hbm4b:s5+s20], $0x80, s30, s20, $0xb8;
	[tilespmem:$0x1EE80] =	vst v63  }
0x51: {  	_ =	swait.ge [sflag:s29], $0x2000  }
0x52: {  	[sflag:s29] =	ssyncset.done $0x0  }
.Ltmp0:
0x53: {  	s30 =	sadd.s32 $0x167C0, s25;
	[sflag:s29] =	ssyncadd.s32 $0xFFFFE000;
	(pc) =	sbr.rel @p1 .LBB2_2-.Ltmp0, $4  }
0x54: {  	[spmem:s3] =	stream.indirect.scatter.add.f32 [tilespmem:s26], [sflag:$0x5], $0x80, s30, s20, $0xb8;
	[tilespmem:$0x1EE80] =	vst v63  }
0x55: {  	_ =	swait.ge [sflag:s28], $0x2000  }
0x56: {  	[sflag:s28] =	ssyncset.done $0x0  }
0x57: {  	s25 =	sadd.s32 $0x14140, s25;
	[sflag:s28] =	ssyncadd.s32 $0xFFFFE000  }
0x58: {  	[tilespmem:s26], [sflag:$0x3] =	stream.indirect.gather [hbm4b:s5+s20], $0x80, s25, s20, $0xb8;
	[tilespmem:$0x1EE80] =	vst v63  }
0x59: {  	_ =	swait.ge [sflag:s18], $0x2000  }
0x5a: {  	[sflag:s18] =	ssyncset.done $0x0  }
0x5b: {  	s22 =	simm.s32 $0x18D80;
	[sflag:s18] =	ssyncadd.s32 $0xFFFFE000  }
0x5c: {  	[spmem:s3] =	stream.indirect.scatter.add.f32 [tilespmem:s21], [sflag:$0x5], $0x80, s22, s20, $0xb8;
	[tilespmem:$0x1EE80] =	vst v63  }
0x5d: {  	_ =	swait.ge [sflag:s28], $0x2000  }
0x5e: {  	[sflag:s28] =	ssyncset.done $0x0  }
0x5f: {  	[sflag:s28] =	ssyncadd.s32 $0xFFFFE000  }
0x60: {  	[tilespmem:s21], [sflag:$0x1] =	stream.indirect.gather [hbm4b:s5+s20], $0x80, s31, s20, $0xb8;
	[tilespmem:$0x1EE80] =	vst v63  }
0x61: {  	_ =	swait.ge [sflag:s19], $0x2000  }
0x62: {  	[sflag:s19] =	ssyncset.done $0x0  }
0x63: {  	[sflag:s19] =	ssyncadd.s32 $0xFFFFE000  }
0x64: {  	[spmem:s3] =	stream.indirect.scatter.add.f32 [tilespmem:s23], [sflag:$0x5], $0x80, s1, s20, $0xb8;
	[tilespmem:$0x1EE80] =	vst v63  }
0x65: {  	_ =	swait.ge [sflag:s28], $0x2000  }
0x66: {  	[sflag:s28] =	ssyncset.done $0x0  }
0x67: {  	[sflag:s28] =	ssyncadd.s32 $0xFFFFE000  }
0x68: {  	_ =	swait.ge [sflag:s29], $0x2000  }
0x69: {  	[sflag:s29] =	ssyncset.done $0x0  }
0x6a: {  	[sflag:s29] =	ssyncadd.s32 $0xFFFFE000  }
0x6b: {  	[spmem:s3] =	stream.indirect.scatter.add.f32 [tilespmem:s26], [sflag:$0x5], $0x80, s2, s20, $0xb8;
	[tilespmem:$0x1EE80] =	vst v63  }
0x6c: {  	_ =	swait.ge [sflag:s28], $0x2000  }
0x6d: {  	[sflag:s28] =	ssyncset.done $0x0  }
0x6e: {  	[sflag:s28] =	ssyncadd.s32 $0xFFFFE000  }
0x6f: {  	_ =	swait.ge [sflag:s18], $0x2000  }
0x70: {  	[sflag:s18] =	ssyncset.done $0x0  }
0x71: {  	[sflag:s18] =	ssyncadd.s32 $0xFFFFE000  }
0x72: {  	[spmem:s3] =	stream.indirect.scatter.add.f32 [tilespmem:s21], [sflag:$0x5], $0x80, s0, s20, $0xb8;
	[tilespmem:$0x1EE80] =	vst v63  }
0x73: {  	s25 =	stileid.u32;
	_ =	swait.ge [sflag:s28], $0x2000  }
0x74: {  	s30 =	sshrl.u32 s6, $0x3;
	s16 =	sadd.s32 $0x1, s16;
	[sflag:s28] =	ssyncset.done $0x0  }
0x75: {  	p1 =	sne.s32 s16, s10;
	s22 =	sshll.u32 s25, $0x6;
	[sflag:s28] =	ssyncadd.s32 $0xFFFFE000  }
.Ltmp1:
0x76: {  	s22 =	sor.u32 $0x1C05, s22;
	[bflag:$0x0] =	sbarrier.arrive $0xFFFF;
	(pc) =	sbr.rel @p1 .LBB2_1-.Ltmp1, $4  }
0x77: {  	[hbm:s24], [sflag:s22] =	dma.local [spmem:s30], $0x2800  }
0x78: {  	_ =	swait.ge [sflag:s28], $0x2800  }
0x79: {  	[sflag:s28] =	ssyncset.done $0x0  }
0x7a: {  	[sflag:s28] =	ssyncadd.s32 $0xFFFFD800  }
0x7b: {  	_ =	sfence.sel $0x180000  }
0x7c: {  	[bflag:$0x0] =	sbarrier.arrive $0xFFFF  }
0x7d: {  	_ =	strace $0x9000004A  }
0x7e: {  	s0 =	stileid.u32;
	[bflag:$0x2] =	sbarrier.arrive $0xFFFF  }
0x7f: {  	p0 =	sne.s32 s0, $0x0;
	s0 =	rddreg [dreg:$0x3]  }
0x80: {  	s0 =	sadd.s32 @!p0 $0x100000, s0  }
0x81: {  	[sflag:s0] =	ssyncadd.tile.s32 @!p0 $0x1;
	_ =	shalt  }
.Lfunc_end2:
_tile_overlayer_lowered:
.L_overlay_start_2:
0x82: {  	(tag) =	ssettag $0x2  }
0x83: {  	s0 =	rddreg [dreg:$0x0];
	s2 =	stileid.u32  }
0x84: {  	s1 =	rddreg [dreg:$0x1];
	p0 =	sne.s32 s2, $0x0  }
0x85: {  	s3 =	rddreg [dreg:$0x2];
	[bflag:$0x3] =	sbarrier.arrive $0xFFFF;
	s2 =	simm.s32 @!p0 $0x1C05  }
0x86: {  	[timem:s3], [sflag:s2] =	dma.local @!p0 [hbm:s0], s1  }
0x87: {  	s0 =	simm.s32 @!p0 $0x5  }
0x88: {  	_ =	swait.ge @!p0 [sflag:s0], s1  }
0x89: {  	s1 =	ssub.s32 @!p0 $0x0, s1;
	[sflag:s0] =	ssyncset.done @!p0 $0x0  }
0x8a: {  	[sflag:s0] =	ssyncadd.s32 @!p0 s1  }
0x8b: {  	[bflag:$0x3] =	sbarrier.arrive $0xFFFF  }
0x8c: {  	_ =	shalt  }

// kernel: kernel.15.cloned.1.call-start
scs
__scs_entry_jumppad:
0x0: {  	(pc) =	sbr.rel $0x88, $3  }
0x1: {  	(tag) =	ssettag $0x0;
	lr =	simm.s32 $0x1  }
0x2: {  	[smem:$0x3F9B] =	sst lr;
	_ =	strace $0xD0000000  }
0x3: {  	_ = 	snop  }
0x4: {  	_ = 	snop  }
0x5: {  	_ = 	snop  }
0x6: {  	_ = 	snop  }
0x7: {  	_ = 	snop  }
__scs_overlays_trampoline_lowered:
0x8: {  	[smem:$0x3FAA] =	sst s0  }
0x9: {  	[smem:$0x3FAB] =	sst s1  }
0xa: {  	[smem:$0x3FAC] =	sst s2  }
0xb: {  	[smem:$0x3FAD] =	sst s3  }
0xc: {  	[smem:$0x3FAE] =	sst s4  }
0xd: {  	[smem:$0x3FAF] =	sst s5  }
0xe: {  	[smem:$0x3FB0] =	sst s6  }
0xf: {  	[smem:$0x3FB1] =	sst s7  }
0x10: {  	[smem:$0x3FB2] =	sst s8  }
0x11: {  	[smem:$0x3FB3] =	sst s9;
	s0 =	simm.s32 @!p0 $0x0  }
0x12: {  	s1 =	sld [smem:$0x3F99];
	s0 =	simm.s32 @p0 $0x1  }
0x13: {  	[smem:$0x3FB4] =	sst s0;
	s0 =	simm.s32 @!p1 $0x0  }
0x14: {  	s2 =	sld [smem:$0x3F98];
	s0 =	simm.s32 @p1 $0x1  }
0x15: {  	[smem:$0x3FB5] =	sst s0;
	s0 =	simm.s32 @!p2 $0x0  }
0x16: {  	s3 =	sld [smem:$0x3FDB];
	s0 =	simm.s32 @p2 $0x1  }
0x17: {  	s4 =	simm.s32 $0x1BF5;
	[smem:$0x3FB7] =	sst s0  }
0x18: {  	s0 =	sld [smem:$0x3F9A];
	_ =	swait.ge [sflag:s4], $0x0  }
0x19: {  	s7 =	sld [smem:$0x3F9B]  }
0x1a: {  	s8 =	sadd.s32 $0xFFFFE003, lr  }
0x1b: {  	s9 =	sadd.s32 $0xFFFFFEF7, lr;
	s5 =	simm.s32 $0xFFFFFFFF;
	p2 =	slt.u32 s8, $0xFFFFF086  }
0x1c: {  	p1 =	slt.u32 s9, $0xF7A;
	s5 =	simm.s32 @!p2 $0x0  }
0x1d: {  	s5 =	simm.s32 @p1 $0x1;
	p0 =	seq.s32 s7, s2  }
0x1e: {  	s7 =	smul.u32 @!p0 $0xF7A, s2;
	p2 =	seq.s32 @!p0 s5, $0x0  }
0x1f: {  	s9 =	smul.u32 $0xF7A, s1;
	s8 =	simm.s32 @!p0 $0x1BF5;
	p2 =	por !p2, p0  }
0x20: {  	[sflag:s8] =	ssyncset.s32 @!p0 $0xFFFFF086;
	s6 =	sadd.s32 @!p0 s3, s7;
	s7 =	simm.s32 @!p0 $0x108  }
0x21: {  	s3 =	sadd.s32 s3, s9;
	s6 =	sadd.s32 @!p0 $0x88, s6;
	s7 =	simm.s32 @p2 $0x1082  }
0x22: {  	[simem:s7], [sflag:s8] =	dma.local @!p0 [hbm:s6], $0xF7A  }
0x23: {  	s9 =	sor.u32 $0xD0000000, s2;
	s6 =	simm.s32 $0x108;
	_ =	swait.ge @!p0 [sflag:s8], $0x0  }
0x24: {  	s3 =	sadd.s32 $0x88, s3;
	s6 =	simm.s32 @!p1 $0x1082;
	[sflag:s4] =	ssyncset.s32 $0xFFFFF086  }
0x25: {  	[simem:s6], [sflag:s4] =	dma.local [hbm:s3], $0xF7A  }
0x26: {  	[smem:$0x3F9B] =	sst s1;
	(tag) =	ssettag s2;
	_ =	strace s9  }
0x27: {  	s1 =	sld [smem:$0x3FAB]  }
0x28: {  	s2 =	sld [smem:$0x3FAC]  }
0x29: {  	s4 =	sld [smem:$0x3FAE]  }
0x2a: {  	p0 =	seq.s32 s5, $0x0;
	s5 =	sld [smem:$0x3FAF]  }
0x2b: {  	s6 =	sld [smem:$0x3FB0]  }
0x2c: {  	s7 =	sld [smem:$0x3FB1]  }
0x2d: {  	s3 =	simm.s32 $0x108;
	s8 =	sld [smem:$0x3FB2]  }
0x2e: {  	s3 =	simm.s32 @!p0 $0x1082;
	s9 =	sld [smem:$0x3FB3]  }
0x2f: {  	lr =	sadd.s32 s0, s3;
	s0 =	sld [smem:$0x3FAA]  }
0x30: {  	s3 =	sld [smem:$0x3FAD]  }
0x31: {  	[smem:$0x3FB6] =	sst s10  }
0x32: {  	s10 =	sld [smem:$0x3FB4];
	_ =	sdelay $0x3  }
0x33: {  	p0 =	seq.s32 s10, $0x1;
	s10 =	sld [smem:$0x3FB6];
	_ =	sdelay $0x3  }
0x34: {  	[smem:$0x3FB6] =	sst s10  }
0x35: {  	s10 =	sld [smem:$0x3FB5];
	_ =	sdelay $0x3  }
0x36: {  	p1 =	seq.s32 s10, $0x1;
	s10 =	sld [smem:$0x3FB6];
	_ =	sdelay $0x3  }
0x37: {  	[smem:$0x3FB6] =	sst s10  }
0x38: {  	s10 =	sld [smem:$0x3FB7]  }
0x39: {  	_ = 	snop;
	(pc) =	sbr.ind lr, $3  }
0x3a: {  	_ = 	snop  }
0x3b: {  	_ = 	snop  }
0x3c: {  	p2 =	seq.s32 s10, $0x1;
	s10 =	sld [smem:$0x3FB6]  }
0x3d: {  	_ =	shalt  }
0x3e: {  	_ =	shalt  }
0x3f: {  	_ =	shalt  }
0x40: {  	_ =	shalt  }
0x41: {  	_ =	shalt  }
0x42: {  	_ =	shalt  }
0x43: {  	_ =	shalt  }
0x44: {  	_ =	shalt  }
0x45: {  	_ =	shalt  }
0x46: {  	_ =	shalt  }
0x47: {  	_ =	shalt  }
0x48: {  	_ =	shalt  }
0x49: {  	_ =	shalt  }
0x4a: {  	_ =	shalt  }
0x4b: {  	_ =	shalt  }
0x4c: {  	_ =	shalt  }
0x4d: {  	_ =	shalt  }
0x4e: {  	_ =	shalt  }
0x4f: {  	_ =	shalt  }
0x50: {  	_ =	shalt  }
0x51: {  	_ =	shalt  }
0x52: {  	_ =	shalt  }
0x53: {  	_ =	shalt  }
0x54: {  	_ =	shalt  }
0x55: {  	_ =	shalt  }
0x56: {  	_ =	shalt  }
0x57: {  	_ =	shalt  }
0x58: {  	_ =	shalt  }
0x59: {  	_ =	shalt  }
0x5a: {  	_ =	shalt  }
0x5b: {  	_ =	shalt  }
0x5c: {  	_ =	shalt  }
0x5d: {  	_ =	shalt  }
0x5e: {  	_ =	shalt  }
0x5f: {  	_ =	shalt  }
0x60: {  	_ =	shalt  }
0x61: {  	_ =	shalt  }
0x62: {  	_ =	shalt  }
0x63: {  	_ =	shalt  }
0x64: {  	_ =	shalt  }
0x65: {  	_ =	shalt  }
0x66: {  	_ =	shalt  }
0x67: {  	_ =	shalt  }
0x68: {  	_ =	shalt  }
0x69: {  	_ =	shalt  }
0x6a: {  	_ =	shalt  }
0x6b: {  	_ =	shalt  }
0x6c: {  	_ =	shalt  }
0x6d: {  	_ =	shalt  }
0x6e: {  	_ =	shalt  }
0x6f: {  	_ =	shalt  }
0x70: {  	_ =	shalt  }
0x71: {  	_ =	shalt  }
0x72: {  	_ =	shalt  }
0x73: {  	_ =	shalt  }
0x74: {  	_ =	shalt  }
0x75: {  	_ =	shalt  }
0x76: {  	_ =	shalt  }
0x77: {  	_ =	shalt  }
0x78: {  	_ =	shalt  }
0x79: {  	_ =	shalt  }
0x7a: {  	_ =	shalt  }
0x7b: {  	_ =	shalt  }
0x7c: {  	_ =	shalt  }
0x7d: {  	_ =	shalt  }
0x7e: {  	_ =	shalt  }
0x7f: {  	_ =	shalt  }
0x80: {  	_ =	shalt  }
0x81: {  	_ =	shalt  }
0x82: {  	_ =	shalt  }
0x83: {  	_ =	shalt  }
0x84: {  	_ =	shalt  }
0x85: {  	_ =	shalt  }
0x86: {  	_ =	shalt  }
0x87: {  	_ =	shalt  }
.Lfunc_end0:
.L_simem_size_0:
called_computation.2_lowered:
.L_overlay_start_0:
0x88: {  	s2 =	sld [smem:$0x3FD9]  }
0x89: {  	s3 =	sld [smem:$0x3FFE];
	_ =	sdelay $0x1  }
0x8a: {  	s1 =	srdreg.scid  }
0x8b: {  	s0 =	sand.u32 $0x1, s1  }
0x8c: {  	s17 =	sshll.u32 s0, $0xA;
	s2 =	sadd.s32 s3, s2  }
0x8d: {  	s2 =	sadd.s32 s2, s17  }
0x8e: {  	[smem:$0x3FC2] =	sst s2  }
0x8f: {  	_ = 	snop  }
0x90: {  	s2 =	sld [smem:$0x3FD0];
	(tm) =	ssettm $0x1  }
0x91: {  	s18 =	sld [smem:$0x3FFB];
	_ =	sdelay $0x3  }
0x92: {  	_ =	strace s18  }
0x93: {  	s3 =	sld [smem:$0x3FFC];
	_ =	sdelay $0x3  }
0x94: {  	_ =	strace s3  }
0x95: {  	s3 =	sld [smem:$0x3FFD];
	_ =	sdelay $0x3  }
0x96: {  	_ =	strace s3  }
0x97: {  	_ =	strace $0x8FFFFFFF  }
0x98: {  	s19 =	sld [smem:$0x3FDB];
	_ =	sdelay $0x1  }
0x99: {  	s4 =	simm.s32 $_scs_section_size  }
0x9a: {  	s5 =	simm.s32 $_size__tile_overlayer_lowered;
	s6 =	simm.s32 $_tile_overlayer_lowered  }
0x9b: {  	s22 =	simm.s32 $0x1BFF;
	s21 =	sshll.u32 s6, $0x1;
	s3 =	sadd.s32 s4, s19  }
0x9c: {  	s7 =	simm.s32 $0x0;
	s20 =	sshll.u32 s5, $0x1;
	s5 =	sadd.s32 s21, s3  }
0x9d: {  	[timem:s7], [sflag:s22] =	dma.local [hbm:s5], s20  }
0x9e: {  	_ =	swait.ge [sflag:s22], s20  }
0x9f: {  	s4 =	ssub.s32 $0x0, s20;
	[sflag:s22] =	ssyncset.done $0x0  }
0xa0: {  	[sflag:s22] =	ssyncadd.s32 s4;
	_ =	sdelay $0x1  }
0xa1: {  	s23 =	simm.s32 $0x1B8B  }
0xa2: {  	_ =	swait.ge [sflag:s23], $0x1  }
0xa3: {  	[sflag:s23] =	ssyncset.done $0x0  }
0xa4: {  	s25 =	simm.s32 $0x1B8E;
	s24 =	sld [smem:$0x3FFE];
	[sflag:s23] =	ssyncadd.s32 $0xFFFFFFFF  }
0xa5: {  	s26 =	simm.s32 $execute0_lowered;
	[smem:$0x3FD2] =	sst s25  }
0xa6: {  	s5 =	sshll.u32 s26, $0x1;
	_ =	strace $0x8000004C;
	[dreg:$0x1] =	wrdreg $0xFFFFFFFF  }
0xa7: {  	s28 =	simm.s32 $_size_execute0_lowered;
	s3 =	sadd.s32 s3, s5;
	[dreg:$0x0] =	wrdreg $0x0  }
0xa8: {  	s5 =	sshll.u32 s28, $0x1;
	[dreg:$0x2] =	wrdreg s3  }
0xa9: {  	[dreg:$0x3] =	wrdreg s5  }
0xaa: {  	[dreg:$0x4] =	wrdreg $0xC0  }
0xab: {  	_ =	task [dreg:s7], $0x5FFFF  }
0xac: {  	[dreg:$0x1] =	wrdreg $0xFFFFFFFF  }
0xad: {  	[dreg:$0x0] =	wrdreg $0x60  }
0xae: {  	[dreg:$0x2] =	wrdreg s24  }
0xaf: {  	[dreg:$0x3] =	wrdreg s2  }
0xb0: {  	[dreg:$0x4] =	wrdreg $0x0  }
0xb1: {  	[dreg:$0x5] =	wrdreg $0x9  }
0xb2: {  	_ =	task.clear_ibuf [dreg:s7], $0x6FFFF;
	_ =	strace $0x9000004C  }
0xb3: {  	s29 =	simm.s32 $0x9;
	_ =	strace $0x8000004E  }
0xb4: {  	_ =	swait.ge [sflag:s29], $0x1  }
0xb5: {  	[sflag:s29] =	ssyncadd.s32 $0xFFFFFFFF  }
0xb6: {  	_ =	strace $0x9000004E  }
0xb7: {  	_ =	sfence  }
0xb8: {  	s30 =	sld [smem:$0x0];
	_ =	sdelay $0x2  }
0xb9: {  	s31 =	sshll.u32 s1, $0xD;
	s1 =	sshrl.u32 s1, $0x2  }
0xba: {  	s3 =	sand.u32 $0x4000, s31;
	s1 =	sadd.s32 s1, s30  }
0xbb: {  	s0 =	sor.u32 s3, s0;
	s1 =	sshll.u32 s1, $0x11  }
0xbc: {  	s0 =	sor.u32 s1, s0  }
0xbd: {  	s0 =	sadd.s32 $0x8F2B, s0  }
0xbe: {  	[sflag:s0] =	ssyncadd.remote.s32 $0x1  }
0xbf: {  	_ =	sfence.sel $0xFFFF  }
0xc0: {  	[dreg:$0x0] =	wrdreg $0xFFFFFFFF;
	(pc) =	sbr.abs _section_cstart, $3  }
0xc1: {  	[dreg:$0x1] =	wrdreg $0xFFFFFFFF  }
0xc2: {  	_ =	task.clear_ibuf [dreg:s7], $0x2FFFF;
	_ =	strace $0x9FFFFFFF  }
0xc3: {  	(tm) =	ssettm $0x7FFFFFFF  }
tec
execute0_lowered:
.L_overlay_start_1:
0x0: {  	(tag) =	ssettag $0x1  }
0x1: {  	s0 =	rddreg [dreg:$0x0];
	s1 =	srdreg.scid  }
0x2: {  	s13 =	stileid.u32;
	s3 =	rddreg [dreg:$0x2]  }
0x3: {  	s4 =	simm.s32 $0x0;
	s15 =	simm.s32 $0x14000;
	s17 =	simm.s32 $0x4  }
0x4: {  	s18 =	simm.s32 $0x1;
	s19 =	simm.s32 $0x2;
	s20 =	simm.s32 $0x40  }
0x5: {  	s21 =	simm.s32 $0x18E80;
	s23 =	simm.s32 $0x1AE80;
	s28 =	simm.s32 $0x5  }
0x6: {  	s29 =	simm.s32 $0x3;
	s31 =	simm.s32 $0x16700;
	s16 =	simm.s32 $0x0  }
0x7: {  	s1 =	sand.u32 $0x1, s1;
	s2 =	sshll.u32 s13, $0x1;
	s8 =	smul.u32 $0x14000, s13  }
0x8: {  	[smem:$0x7FF] =	sst s4;
	s5 =	sadd.s32 $0x16400, s0;
	s10 =	smul.u32 $0x50000, s13  }
0x9: {  	s2 =	sor.u32 s1, s2;
	s6 =	smul.u32 $0x28000, s1;
	_ =	strace $0x8000004D  }
0xa: {  	s7 =	ssub.s32 $0x2, s1;
	p0 =	seq.s32 s1, $0x1;
	s1 =	simm.s32 $0x18DC0  }
0xb: {  	s2 =	smul.u32 $0x4E8, s2;
	s9 =	sshrl.u32 s7, $0x1;
	s26 =	sshrl.u32 s8, $0x3  }
0xc: {  	s30 =	sshrl.u32 s10, $0x2;
	s11 =	ssub.s32 s7, s9;
	s7 =	sadd.s32 s5, s26  }
0xd: {  	s12 =	sadd.s32 s30, s3;
	s2 =	sadd.s32 s2, s0;
	s0 =	sadd.s32 s6, s0  }
0xe: {  	s6 =	sadd.s32 s8, s3;
	s10 =	smax.u32 s11, $0x1;
	s12 =	sshrl.u32 @p0 s12, $0x3  }
0xf: {  	s8 =	sadd.s32 $0xC600, s2;
	s9 =	sadd.s32 $0x2000, s2;
	s0 =	sadd.s32 $0x3E400, s0  }
0x10: {  	s2 =	sshll.u32 @p0 s13, $0x6;
	s13 =	sshll.u32 @!p0 s13, $0x6;
	s14 =	sshrl.u32 @!p0 s6, $0x3  }
0x11: {  	s11 =	sor.u32 @p0 $0x1C04, s2;
	s13 =	sor.u32 @!p0 $0x1C04, s13;
	s24 =	sadd.s32 s26, s0  }
0x12: {  	s26 =	simm.s32 $0x1CE80;
	s2 =	simm.s32 $0x18E00;
	s0 =	simm.s32 $0x18E40  }
.LBB2_1:
0x13: {  	s22 =	rddreg [dreg:$0x1]  }
0x14: {  	[spmem:s12], [sflag:s11] =	dma.local @p0 [hbm:s22], $0x2800  }
0x15: {  	[spmem:s14], [sflag:s13] =	dma.local @!p0 [hbm:s7], $0x2800  }
0x16: {  	[tilespmem:s15], [sflag:$0x1] =	stream.linear.gather [hbm4b:s8+s4], $0x2740, $0x38;
	[tilespmem:$0x1EE80] =	vst v63  }
0x17: {  	s25 =	simm.s32 $0x16740  }
0x18: {  	[tilespmem:s25], [sflag:$0x2] =	stream.linear.gather [hbm4b:s9+s4], $0x2740, $0x38;
	[tilespmem:$0x1EE80] =	vst v63  }
0x19: {  	_ =	swait.ge [sflag:s17], $0x2800  }
0x1a: {  	[sflag:s17] =	ssyncset.done $0x0  }
0x1b: {  	[sflag:s17] =	ssyncadd.s32 $0xFFFFD800  }
0x1c: {  	_ =	swait.ge [sflag:s18], $0x2740  }
0x1d: {  	[sflag:s18] =	ssyncset.done $0x0  }
0x1e: {  	[sflag:s18] =	ssyncadd.s32 $0xFFFFD8C0  }
0x1f: {  	_ =	swait.ge [sflag:s19], $0x2740  }
0x20: {  	[sflag:s19] =	ssyncset.done $0x0  }
0x21: {  	[sflag:s19] =	ssyncadd.s32 $0xFFFFD8C0  }
0x22: {  	[bflag:$0x0] =	sbarrier.arrive $0xFFFF  }
0x23: {  	[tilespmem:s21], [sflag:$0x1] =	stream.indirect.gather [hbm4b:s5+s20], $0x80, s15, s20, $0xb8;
	[tilespmem:$0x1EE80] =	vst v63  }
0x24: {  	s30 =	simm.s32 $0x14040  }
0x25: {  	[tilespmem:s23], [sflag:$0x2] =	stream.indirect.gather [hbm4b:s5+s20], $0x80, s30, s20, $0xb8;
	[tilespmem:$0x1EE80] =	vst v63  }
0x26: {  	s25 =	simm.s32 $0x14080  }
0x27: {  	[tilespmem:s26], [sflag:$0x3] =	stream.indirect.gather [hbm4b:s5+s20], $0x80, s25, s20, $0xb8;
	[tilespmem:$0x1EE80] =	vst v63  }
0x28: {  	_ =	swait.ge [sflag:s18], $0x2000  }
0x29: {  	[sflag:s18] =	ssyncset.done $0x0  }
0x2a: {  	s30 =	simm.s32 $0x16740;
	[sflag:s18] =	ssyncadd.s32 $0xFFFFE000  }
0x2b: {  	[spmem:s3] =	stream.indirect.scatter.add.f32 [tilespmem:s21], [sflag:$0x5], $0x80, s30, s20, $0xb8;
	[tilespmem:$0x1EE80] =	vst v63  }
0x2c: {  	_ =	swait.ge [sflag:s28], $0x2000  }
0x2d: {  	[sflag:s28] =	ssyncset.done $0x0  }
0x2e: {  	s25 =	simm.s32 $0x140C0;
	[sflag:s28] =	ssyncadd.s32 $0xFFFFE000  }
0x2f: {  	[tilespmem:s21], [sflag:$0x1] =	stream.indirect.gather [hbm4b:s5+s20], $0x80, s25, s20, $0xb8;
	[tilespmem:$0x1EE80] =	vst v63  }
0x30: {  	_ =	swait.ge [sflag:s19], $0x2000  }
0x31: {  	[sflag:s19] =	ssyncset.done $0x0  }
0x32: {  	s30 =	simm.s32 $0x16780;
	[sflag:s19] =	ssyncadd.s32 $0xFFFFE000  }
0x33: {  	[spmem:s3] =	stream.indirect.scatter.add.f32 [tilespmem:s23], [sflag:$0x5], $0x80, s30, s20, $0xb8;
	[tilespmem:$0x1EE80] =	vst v63  }
0x34: {  	_ =	swait.ge [sflag:s28], $0x2000  }
0x35: {  	[sflag:s28] =	ssyncset.done $0x0  }
0x36: {  	s25 =	simm.s32 $0x14100;
	[sflag:s28] =	ssyncadd.s32 $0xFFFFE000  }
0x37: {  	[tilespmem:s23], [sflag:$0x2] =	stream.indirect.gather [hbm4b:s5+s20], $0x80, s25, s20, $0xb8;
	[tilespmem:$0x1EE80] =	vst v63  }
0x38: {  	_ =	swait.ge [sflag:s29], $0x2000  }
0x39: {  	[sflag:s29] =	ssyncset.done $0x0  }
0x3a: {  	s30 =	simm.s32 $0x167C0;
	[sflag:s29] =	ssyncadd.s32 $0xFFFFE000  }
0x3b: {  	[spmem:s3] =	stream.indirect.scatter.add.f32 [tilespmem:s26], [sflag:$0x5], $0x80, s30, s20, $0xb8;
	[tilespmem:$0x1EE80] =	vst v63  }
0x3c: {  	_ =	swait.ge [sflag:s28], $0x2000  }
0x3d: {  	[sflag:s28] =	ssyncset.done $0x0  }
0x3e: {  	s22 =	simm.s32 $0x300;
	s25 =	simm.s32 $0x14140;
	[sflag:s28] =	ssyncadd.s32 $0xFFFFE000  }
.LBB2_2:
0x3f: {  	[tilespmem:s26], [sflag:$0x3] =	stream.indirect.gather [hbm4b:s5+s20], $0x80, s25, s20, $0xb8;
	[tilespmem:$0x1EE80] =	vst v63  }
0x40: {  	s25 =	smov.u32 s22  }
0x41: {  	p1 =	sne.s32 s22, $0x9600;
	s22 =	sadd.s32 $0x300, s22;
	_ =	swait.ge [sflag:s18], $0x2000  }
0x42: {  	s25 =	sshra.s32 s25, $0x2;
	[sflag:s18] =	ssyncset.done $0x0  }
0x43: {  	s30 =	sadd.s32 $0x16740, s25;
	[sflag:s18] =	ssyncadd.s32 $0xFFFFE000  }
0x44: {  	[spmem:s3] =	stream.indirect.scatter.add.f32 [tilespmem:s21], [sflag:$0x5], $0x80, s30, s20, $0xb8;
	[tilespmem:$0x1EE80] =	vst v63  }
0x45: {  	_ =	swait.ge [sflag:s28], $0x2000  }
0x46: {  	[sflag:s28] =	ssyncset.done $0x0  }
0x47: {  	s30 =	sadd.s32 $0x140C0, s25;
	[sflag:s28] =	ssyncadd.s32 $0xFFFFE000  }
0x48: {  	[tilespmem:s21], [sflag:$0x1] =	stream.indirect.gather [hbm4b:s5+s20], $0x80, s30, s20, $0xb8;
	[tilespmem:$0x1EE80] =	vst v63  }
0x49: {  	_ =	swait.ge [sflag:s19], $0x2000  }
0x4a: {  	[sflag:s19] =	ssyncset.done $0x0  }
0x4b: {  	s30 =	sadd.s32 $0x16780, s25;
	[sflag:s19] =	ssyncadd.s32 $0xFFFFE000  }
0x4c: {  	[spmem:s3] =	stream.indirect.scatter.add.f32 [tilespmem:s23], [sflag:$0x5], $0x80, s30, s20, $0xb8;
	[tilespmem:$0x1EE80] =	vst v63  }
0x4d: {  	_ =	swait.ge [sflag:s28], $0x2000  }
0x4e: {  	[sflag:s28] =	ssyncset.done $0x0  }
0x4f: {  	s30 =	sadd.s32 $0x14100, s25;
	[sflag:s28] =	ssyncadd.s32 $0xFFFFE000  }
0x50: {  	[tilespmem:s23], [sflag:$0x2] =	stream.indirect.gather [hbm4b:s5+s20], $0x80, s30, s20, $0xb8;
	[tilespmem:$0x1EE80] =	vst v63  }
0x51: {  	_ =	swait.ge [sflag:s29], $0x2000  }
0x52: {  	[sflag:s29] =	ssyncset.done $0x0  }
.Ltmp0:
0x53: {  	s30 =	sadd.s32 $0x167C0, s25;
	[sflag:s29] =	ssyncadd.s32 $0xFFFFE000;
	(pc) =	sbr.rel @p1 .LBB2_2-.Ltmp0, $4  }
0x54: {  	[spmem:s3] =	stream.indirect.scatter.add.f32 [tilespmem:s26], [sflag:$0x5], $0x80, s30, s20, $0xb8;
	[tilespmem:$0x1EE80] =	vst v63  }
0x55: {  	_ =	swait.ge [sflag:s28], $0x2000  }
0x56: {  	[sflag:s28] =	ssyncset.done $0x0  }
0x57: {  	s25 =	sadd.s32 $0x14140, s25;
	[sflag:s28] =	ssyncadd.s32 $0xFFFFE000  }
0x58: {  	[tilespmem:s26], [sflag:$0x3] =	stream.indirect.gather [hbm4b:s5+s20], $0x80, s25, s20, $0xb8;
	[tilespmem:$0x1EE80] =	vst v63  }
0x59: {  	_ =	swait.ge [sflag:s18], $0x2000  }
0x5a: {  	[sflag:s18] =	ssyncset.done $0x0  }
0x5b: {  	s22 =	simm.s32 $0x18D80;
	[sflag:s18] =	ssyncadd.s32 $0xFFFFE000  }
0x5c: {  	[spmem:s3] =	stream.indirect.scatter.add.f32 [tilespmem:s21], [sflag:$0x5], $0x80, s22, s20, $0xb8;
	[tilespmem:$0x1EE80] =	vst v63  }
0x5d: {  	_ =	swait.ge [sflag:s28], $0x2000  }
0x5e: {  	[sflag:s28] =	ssyncset.done $0x0  }
0x5f: {  	[sflag:s28] =	ssyncadd.s32 $0xFFFFE000  }
0x60: {  	[tilespmem:s21], [sflag:$0x1] =	stream.indirect.gather [hbm4b:s5+s20], $0x80, s31, s20, $0xb8;
	[tilespmem:$0x1EE80] =	vst v63  }
0x61: {  	_ =	swait.ge [sflag:s19], $0x2000  }
0x62: {  	[sflag:s19] =	ssyncset.done $0x0  }
0x63: {  	[sflag:s19] =	ssyncadd.s32 $0xFFFFE000  }
0x64: {  	[spmem:s3] =	stream.indirect.scatter.add.f32 [tilespmem:s23], [sflag:$0x5], $0x80, s1, s20, $0xb8;
	[tilespmem:$0x1EE80] =	vst v63  }
0x65: {  	_ =	swait.ge [sflag:s28], $0x2000  }
0x66: {  	[sflag:s28] =	ssyncset.done $0x0  }
0x67: {  	[sflag:s28] =	ssyncadd.s32 $0xFFFFE000  }
0x68: {  	_ =	swait.ge [sflag:s29], $0x2000  }
0x69: {  	[sflag:s29] =	ssyncset.done $0x0  }
0x6a: {  	[sflag:s29] =	ssyncadd.s32 $0xFFFFE000  }
0x6b: {  	[spmem:s3] =	stream.indirect.scatter.add.f32 [tilespmem:s26], [sflag:$0x5], $0x80, s2, s20, $0xb8;
	[tilespmem:$0x1EE80] =	vst v63  }
0x6c: {  	_ =	swait.ge [sflag:s28], $0x2000  }
0x6d: {  	[sflag:s28] =	ssyncset.done $0x0  }
0x6e: {  	[sflag:s28] =	ssyncadd.s32 $0xFFFFE000  }
0x6f: {  	_ =	swait.ge [sflag:s18], $0x2000  }
0x70: {  	[sflag:s18] =	ssyncset.done $0x0  }
0x71: {  	[sflag:s18] =	ssyncadd.s32 $0xFFFFE000  }
0x72: {  	[spmem:s3] =	stream.indirect.scatter.add.f32 [tilespmem:s21], [sflag:$0x5], $0x80, s0, s20, $0xb8;
	[tilespmem:$0x1EE80] =	vst v63  }
0x73: {  	s25 =	stileid.u32;
	_ =	swait.ge [sflag:s28], $0x2000  }
0x74: {  	s30 =	sshrl.u32 s6, $0x3;
	s16 =	sadd.s32 $0x1, s16;
	[sflag:s28] =	ssyncset.done $0x0  }
0x75: {  	p1 =	sne.s32 s16, s10;
	s22 =	sshll.u32 s25, $0x6;
	[sflag:s28] =	ssyncadd.s32 $0xFFFFE000  }
.Ltmp1:
0x76: {  	s22 =	sor.u32 $0x1C05, s22;
	[bflag:$0x0] =	sbarrier.arrive $0xFFFF;
	(pc) =	sbr.rel @p1 .LBB2_1-.Ltmp1, $4  }
0x77: {  	[hbm:s24], [sflag:s22] =	dma.local [spmem:s30], $0x2800  }
0x78: {  	_ =	swait.ge [sflag:s28], $0x2800  }
0x79: {  	[sflag:s28] =	ssyncset.done $0x0  }
0x7a: {  	[sflag:s28] =	ssyncadd.s32 $0xFFFFD800  }
0x7b: {  	_ =	sfence.sel $0x180000  }
0x7c: {  	[bflag:$0x0] =	sbarrier.arrive $0xFFFF  }
0x7d: {  	_ =	strace $0x9000004D  }
0x7e: {  	s0 =	stileid.u32;
	[bflag:$0x2] =	sbarrier.arrive $0xFFFF  }
0x7f: {  	p0 =	sne.s32 s0, $0x0;
	s0 =	rddreg [dreg:$0x3]  }
0x80: {  	s0 =	sadd.s32 @!p0 $0x100000, s0  }
0x81: {  	[sflag:s0] =	ssyncadd.tile.s32 @!p0 $0x1;
	_ =	shalt  }
.Lfunc_end2:
_tile_overlayer_lowered:
.L_overlay_start_2:
0x82: {  	(tag) =	ssettag $0x2  }
0x83: {  	s0 =	rddreg [dreg:$0x0];
	s2 =	stileid.u32  }
0x84: {  	s1 =	rddreg [dreg:$0x1];
	p0 =	sne.s32 s2, $0x0  }
0x85: {  	s3 =	rddreg [dreg:$0x2];
	[bflag:$0x3] =	sbarrier.arrive $0xFFFF;
	s2 =	simm.s32 @!p0 $0x1C05  }
0x86: {  	[timem:s3], [sflag:s2] =	dma.local @!p0 [hbm:s0], s1  }
0x87: {  	s0 =	simm.s32 @!p0 $0x5  }
0x88: {  	_ =	swait.ge @!p0 [sflag:s0], s1  }
0x89: {  	s1 =	ssub.s32 @!p0 $0x0, s1;
	[sflag:s0] =	ssyncset.done @!p0 $0x0  }
0x8a: {  	[sflag:s0] =	ssyncadd.s32 @!p0 s1  }
0x8b: {  	[bflag:$0x3] =	sbarrier.arrive $0xFFFF  }
0x8c: {  	_ =	shalt  }

// kernel: kernel.9.cloned.1.call-start
scs
__scs_entry_jumppad:
0x0: {  	(pc) =	sbr.rel $0x88, $3  }
0x1: {  	(tag) =	ssettag $0x0;
	lr =	simm.s32 $0x1  }
0x2: {  	[smem:$0x3F9B] =	sst lr;
	_ =	strace $0xD0000000  }
0x3: {  	_ = 	snop  }
0x4: {  	_ = 	snop  }
0x5: {  	_ = 	snop  }
0x6: {  	_ = 	snop  }
0x7: {  	_ = 	snop  }
__scs_overlays_trampoline_lowered:
0x8: {  	[smem:$0x3FAA] =	sst s0  }
0x9: {  	[smem:$0x3FAB] =	sst s1  }
0xa: {  	[smem:$0x3FAC] =	sst s2  }
0xb: {  	[smem:$0x3FAD] =	sst s3  }
0xc: {  	[smem:$0x3FAE] =	sst s4  }
0xd: {  	[smem:$0x3FAF] =	sst s5  }
0xe: {  	[smem:$0x3FB0] =	sst s6  }
0xf: {  	[smem:$0x3FB1] =	sst s7  }
0x10: {  	[smem:$0x3FB2] =	sst s8  }
0x11: {  	[smem:$0x3FB3] =	sst s9;
	s0 =	simm.s32 @!p0 $0x0  }
0x12: {  	s1 =	sld [smem:$0x3F99];
	s0 =	simm.s32 @p0 $0x1  }
0x13: {  	[smem:$0x3FB4] =	sst s0;
	s0 =	simm.s32 @!p1 $0x0  }
0x14: {  	s2 =	sld [smem:$0x3F98];
	s0 =	simm.s32 @p1 $0x1  }
0x15: {  	[smem:$0x3FB5] =	sst s0;
	s0 =	simm.s32 @!p2 $0x0  }
0x16: {  	s3 =	sld [smem:$0x3FDB];
	s0 =	simm.s32 @p2 $0x1  }
0x17: {  	s4 =	simm.s32 $0x1BF5;
	[smem:$0x3FB7] =	sst s0  }
0x18: {  	s0 =	sld [smem:$0x3F9A];
	_ =	swait.ge [sflag:s4], $0x0  }
0x19: {  	s7 =	sld [smem:$0x3F9B]  }
0x1a: {  	s8 =	sadd.s32 $0xFFFFE003, lr  }
0x1b: {  	s9 =	sadd.s32 $0xFFFFFEF7, lr;
	s5 =	simm.s32 $0xFFFFFFFF;
	p2 =	slt.u32 s8, $0xFFFFF086  }
0x1c: {  	p1 =	slt.u32 s9, $0xF7A;
	s5 =	simm.s32 @!p2 $0x0  }
0x1d: {  	s5 =	simm.s32 @p1 $0x1;
	p0 =	seq.s32 s7, s2  }
0x1e: {  	s7 =	smul.u32 @!p0 $0xF7A, s2;
	p2 =	seq.s32 @!p0 s5, $0x0  }
0x1f: {  	s9 =	smul.u32 $0xF7A, s1;
	s8 =	simm.s32 @!p0 $0x1BF5;
	p2 =	por !p2, p0  }
0x20: {  	[sflag:s8] =	ssyncset.s32 @!p0 $0xFFFFF086;
	s6 =	sadd.s32 @!p0 s3, s7;
	s7 =	simm.s32 @!p0 $0x108  }
0x21: {  	s3 =	sadd.s32 s3, s9;
	s6 =	sadd.s32 @!p0 $0x88, s6;
	s7 =	simm.s32 @p2 $0x1082  }
0x22: {  	[simem:s7], [sflag:s8] =	dma.local @!p0 [hbm:s6], $0xF7A  }
0x23: {  	s9 =	sor.u32 $0xD0000000, s2;
	s6 =	simm.s32 $0x108;
	_ =	swait.ge @!p0 [sflag:s8], $0x0  }
0x24: {  	s3 =	sadd.s32 $0x88, s3;
	s6 =	simm.s32 @!p1 $0x1082;
	[sflag:s4] =	ssyncset.s32 $0xFFFFF086  }
0x25: {  	[simem:s6], [sflag:s4] =	dma.local [hbm:s3], $0xF7A  }
0x26: {  	[smem:$0x3F9B] =	sst s1;
	(tag) =	ssettag s2;
	_ =	strace s9  }
0x27: {  	s1 =	sld [smem:$0x3FAB]  }
0x28: {  	s2 =	sld [smem:$0x3FAC]  }
0x29: {  	s4 =	sld [smem:$0x3FAE]  }
0x2a: {  	p0 =	seq.s32 s5, $0x0;
	s5 =	sld [smem:$0x3FAF]  }
0x2b: {  	s6 =	sld [smem:$0x3FB0]  }
0x2c: {  	s7 =	sld [smem:$0x3FB1]  }
0x2d: {  	s3 =	simm.s32 $0x108;
	s8 =	sld [smem:$0x3FB2]  }
0x2e: {  	s3 =	simm.s32 @!p0 $0x1082;
	s9 =	sld [smem:$0x3FB3]  }
0x2f: {  	lr =	sadd.s32 s0, s3;
	s0 =	sld [smem:$0x3FAA]  }
0x30: {  	s3 =	sld [smem:$0x3FAD]  }
0x31: {  	[smem:$0x3FB6] =	sst s10  }
0x32: {  	s10 =	sld [smem:$0x3FB4];
	_ =	sdelay $0x3  }
0x33: {  	p0 =	seq.s32 s10, $0x1;
	s10 =	sld [smem:$0x3FB6];
	_ =	sdelay $0x3  }
0x34: {  	[smem:$0x3FB6] =	sst s10  }
0x35: {  	s10 =	sld [smem:$0x3FB5];
	_ =	sdelay $0x3  }
0x36: {  	p1 =	seq.s32 s10, $0x1;
	s10 =	sld [smem:$0x3FB6];
	_ =	sdelay $0x3  }
0x37: {  	[smem:$0x3FB6] =	sst s10  }
0x38: {  	s10 =	sld [smem:$0x3FB7]  }
0x39: {  	_ = 	snop;
	(pc) =	sbr.ind lr, $3  }
0x3a: {  	_ = 	snop  }
0x3b: {  	_ = 	snop  }
0x3c: {  	p2 =	seq.s32 s10, $0x1;
	s10 =	sld [smem:$0x3FB6]  }
0x3d: {  	_ =	shalt  }
0x3e: {  	_ =	shalt  }
0x3f: {  	_ =	shalt  }
0x40: {  	_ =	shalt  }
0x41: {  	_ =	shalt  }
0x42: {  	_ =	shalt  }
0x43: {  	_ =	shalt  }
0x44: {  	_ =	shalt  }
0x45: {  	_ =	shalt  }
0x46: {  	_ =	shalt  }
0x47: {  	_ =	shalt  }
0x48: {  	_ =	shalt  }
0x49: {  	_ =	shalt  }
0x4a: {  	_ =	shalt  }
0x4b: {  	_ =	shalt  }
0x4c: {  	_ =	shalt  }
0x4d: {  	_ =	shalt  }
0x4e: {  	_ =	shalt  }
0x4f: {  	_ =	shalt  }
0x50: {  	_ =	shalt  }
0x51: {  	_ =	shalt  }
0x52: {  	_ =	shalt  }
0x53: {  	_ =	shalt  }
0x54: {  	_ =	shalt  }
0x55: {  	_ =	shalt  }
0x56: {  	_ =	shalt  }
0x57: {  	_ =	shalt  }
0x58: {  	_ =	shalt  }
0x59: {  	_ =	shalt  }
0x5a: {  	_ =	shalt  }
0x5b: {  	_ =	shalt  }
0x5c: {  	_ =	shalt  }
0x5d: {  	_ =	shalt  }
0x5e: {  	_ =	shalt  }
0x5f: {  	_ =	shalt  }
0x60: {  	_ =	shalt  }
0x61: {  	_ =	shalt  }
0x62: {  	_ =	shalt  }
0x63: {  	_ =	shalt  }
0x64: {  	_ =	shalt  }
0x65: {  	_ =	shalt  }
0x66: {  	_ =	shalt  }
0x67: {  	_ =	shalt  }
0x68: {  	_ =	shalt  }
0x69: {  	_ =	shalt  }
0x6a: {  	_ =	shalt  }
0x6b: {  	_ =	shalt  }
0x6c: {  	_ =	shalt  }
0x6d: {  	_ =	shalt  }
0x6e: {  	_ =	shalt  }
0x6f: {  	_ =	shalt  }
0x70: {  	_ =	shalt  }
0x71: {  	_ =	shalt  }
0x72: {  	_ =	shalt  }
0x73: {  	_ =	shalt  }
0x74: {  	_ =	shalt  }
0x75: {  	_ =	shalt  }
0x76: {  	_ =	shalt  }
0x77: {  	_ =	shalt  }
0x78: {  	_ =	shalt  }
0x79: {  	_ =	shalt  }
0x7a: {  	_ =	shalt  }
0x7b: {  	_ =	shalt  }
0x7c: {  	_ =	shalt  }
0x7d: {  	_ =	shalt  }
0x7e: {  	_ =	shalt  }
0x7f: {  	_ =	shalt  }
0x80: {  	_ =	shalt  }
0x81: {  	_ =	shalt  }
0x82: {  	_ =	shalt  }
0x83: {  	_ =	shalt  }
0x84: {  	_ =	shalt  }
0x85: {  	_ =	shalt  }
0x86: {  	_ =	shalt  }
0x87: {  	_ =	shalt  }
.Lfunc_end0:
.L_simem_size_0:
called_computation_lowered:
.L_overlay_start_0:
0x88: {  	s2 =	sld [smem:$0x3FD9]  }
0x89: {  	s3 =	sld [smem:$0x3FFE];
	_ =	sdelay $0x1  }
0x8a: {  	s1 =	srdreg.scid  }
0x8b: {  	s0 =	sand.u32 $0x1, s1  }
0x8c: {  	s17 =	sshll.u32 s0, $0xA;
	s2 =	sadd.s32 s3, s2  }
0x8d: {  	s2 =	sadd.s32 s2, s17  }
0x8e: {  	[smem:$0x3FC2] =	sst s2  }
0x8f: {  	_ = 	snop  }
0x90: {  	s2 =	sld [smem:$0x3FD0];
	(tm) =	ssettm $0x1  }
0x91: {  	s18 =	sld [smem:$0x3FFB];
	_ =	sdelay $0x3  }
0x92: {  	_ =	strace s18  }
0x93: {  	s3 =	sld [smem:$0x3FFC];
	_ =	sdelay $0x3  }
0x94: {  	_ =	strace s3  }
0x95: {  	s3 =	sld [smem:$0x3FFD];
	_ =	sdelay $0x3  }
0x96: {  	_ =	strace s3  }
0x97: {  	_ =	strace $0x8FFFFFFF  }
0x98: {  	s19 =	sld [smem:$0x3FDB];
	_ =	sdelay $0x1  }
0x99: {  	s4 =	simm.s32 $_scs_section_size  }
0x9a: {  	s5 =	simm.s32 $_size__tile_overlayer_lowered;
	s6 =	simm.s32 $_tile_overlayer_lowered  }
0x9b: {  	s22 =	simm.s32 $0x1BFF;
	s21 =	sshll.u32 s6, $0x1;
	s3 =	sadd.s32 s4, s19  }
0x9c: {  	s7 =	simm.s32 $0x0;
	s20 =	sshll.u32 s5, $0x1;
	s5 =	sadd.s32 s21, s3  }
0x9d: {  	[timem:s7], [sflag:s22] =	dma.local [hbm:s5], s20  }
0x9e: {  	_ =	swait.ge [sflag:s22], s20  }
0x9f: {  	s4 =	ssub.s32 $0x0, s20;
	[sflag:s22] =	ssyncset.done $0x0  }
0xa0: {  	[sflag:s22] =	ssyncadd.s32 s4;
	_ =	sdelay $0x1  }
0xa1: {  	s23 =	simm.s32 $0x1B8B  }
0xa2: {  	_ =	swait.ge [sflag:s23], $0x1  }
0xa3: {  	[sflag:s23] =	ssyncset.done $0x0  }
0xa4: {  	s25 =	simm.s32 $0x1B8E;
	s24 =	sld [smem:$0x3FFE];
	[sflag:s23] =	ssyncadd.s32 $0xFFFFFFFF  }
0xa5: {  	s26 =	simm.s32 $execute0_lowered;
	[smem:$0x3FD2] =	sst s25  }
0xa6: {  	s5 =	sshll.u32 s26, $0x1;
	_ =	strace $0x80000046;
	[dreg:$0x1] =	wrdreg $0xFFFFFFFF  }
0xa7: {  	s28 =	simm.s32 $_size_execute0_lowered;
	s3 =	sadd.s32 s3, s5;
	[dreg:$0x0] =	wrdreg $0x0  }
0xa8: {  	s5 =	sshll.u32 s28, $0x1;
	[dreg:$0x2] =	wrdreg s3  }
0xa9: {  	[dreg:$0x3] =	wrdreg s5  }
0xaa: {  	[dreg:$0x4] =	wrdreg $0xC0  }
0xab: {  	_ =	task [dreg:s7], $0x5FFFF  }
0xac: {  	[dreg:$0x1] =	wrdreg $0xFFFFFFFF  }
0xad: {  	[dreg:$0x0] =	wrdreg $0x60  }
0xae: {  	[dreg:$0x2] =	wrdreg s24  }
0xaf: {  	[dreg:$0x3] =	wrdreg s2  }
0xb0: {  	[dreg:$0x4] =	wrdreg $0x0  }
0xb1: {  	[dreg:$0x5] =	wrdreg $0x9  }
0xb2: {  	_ =	task.clear_ibuf [dreg:s7], $0x6FFFF;
	_ =	strace $0x90000046  }
0xb3: {  	s29 =	simm.s32 $0x9;
	_ =	strace $0x80000048  }
0xb4: {  	_ =	swait.ge [sflag:s29], $0x1  }
0xb5: {  	[sflag:s29] =	ssyncadd.s32 $0xFFFFFFFF  }
0xb6: {  	_ =	strace $0x90000048  }
0xb7: {  	_ =	sfence  }
0xb8: {  	s30 =	sld [smem:$0x0];
	_ =	sdelay $0x2  }
0xb9: {  	s31 =	sshll.u32 s1, $0xD;
	s1 =	sshrl.u32 s1, $0x2  }
0xba: {  	s3 =	sand.u32 $0x4000, s31;
	s1 =	sadd.s32 s1, s30  }
0xbb: {  	s0 =	sor.u32 s3, s0;
	s1 =	sshll.u32 s1, $0x11  }
0xbc: {  	s0 =	sor.u32 s1, s0  }
0xbd: {  	s0 =	sadd.s32 $0x8F2B, s0  }
0xbe: {  	[sflag:s0] =	ssyncadd.remote.s32 $0x1  }
0xbf: {  	_ =	sfence.sel $0xFFFF  }
0xc0: {  	[dreg:$0x0] =	wrdreg $0xFFFFFFFF;
	(pc) =	sbr.abs _section_cstart, $3  }
0xc1: {  	[dreg:$0x1] =	wrdreg $0xFFFFFFFF  }
0xc2: {  	_ =	task.clear_ibuf [dreg:s7], $0x2FFFF;
	_ =	strace $0x9FFFFFFF  }
0xc3: {  	(tm) =	ssettm $0x7FFFFFFF  }
tec
execute0_lowered:
.L_overlay_start_1:
0x0: {  	(tag) =	ssettag $0x1  }
0x1: {  	s5 =	rddreg [dreg:$0x0]  }
0x2: {  	s1 =	srdreg.scid;
	s8 =	rddreg [dreg:$0x1]  }
0x3: {  	s0 =	stileid.u32;
	s2 =	rddreg [dreg:$0x2]  }
0x4: {  	s3 =	simm.s32 $0x0;
	s6 =	sand.u32 $0x1, s1;
	s1 =	rddreg [dreg:$0x3]  }
0x5: {  	s13 =	simm.s32 $0x40;
	s29 =	sshll.u32 s0, $0x1;
	[smem:$0x7FF] =	sst s3  }
0x6: {  	s10 =	smul.u32 $0x2800, s0;
	s31 =	sshll.u32 s0, $0x6;
	s4 =	sor.u32 s6, s29  }
0x7: {  	_ =	strace $0x80000047;
	s9 =	ssub.s32 $0x2, s6;
	s12 =	smul.u32 $0x5000, s6  }
0x8: {  	s6 =	sor.u32 $0x1C01, s31;
	s4 =	smul.u32 $0x4E8, s4;
	s11 =	sshrl.u32 s9, $0x1  }
0x9: {  	s30 =	sadd.s32 s10, s2;
	s15 =	sshrl.u32 s10, $0x3;
	s10 =	simm.s32 $0x1  }
0xa: {  	s9 =	ssub.s32 s9, s11;
	s14 =	sadd.s32 s8, s12;
	s11 =	simm.s32 $0x2800  }
0xb: {  	s12 =	simm.s32 $0x4F40;
	s7 =	sadd.s32 s4, s5;
	s4 =	sadd.s32 $0xBE00, s5  }
0xc: {  	s5 =	sadd.s32 $0xC400, s5;
	s8 =	smax.u32 s9, $0x1;
	s9 =	sshrl.u32 s30, $0x3  }
0xd: {  	s14 =	sadd.s32 s15, s14;
	s15 =	simm.s32 $0x0;
	s7 =	sadd.s32 $0x2000, s7  }
.LBB2_1:
0xe: {  	[spmem:s9], [sflag:s6] =	dma.local [hbm:s4], $0x500  }
0xf: {  	_ =	swait.ge [sflag:s10], $0x500  }
0x10: {  	[sflag:s10] =	ssyncset.done $0x0  }
0x11: {  	[sflag:s10] =	ssyncadd.s32 $0xFFFFFB00  }
0x12: {  	[tilespmem:s11], [sflag:$0x1] =	stream.linear.gather [hbm4b:s7+s3], $0x2740, $0x38;
	[tilespmem:$0x5340] =	vst v63  }
0x13: {  	_ =	swait.ge [sflag:s10], $0x2740  }
0x14: {  	[sflag:s10] =	ssyncset.done $0x0  }
0x15: {  	[sflag:s10] =	ssyncadd.s32 $0xFFFFD8C0  }
0x16: {  	[tilespmem:s12], [sflag:$0x1] =	stream.linear.gather [hbm4b:s5+s3], $0x400, $0x38;
	[tilespmem:$0x5340] =	vst v63  }
0x17: {  	_ =	swait.ge [sflag:s10], $0x400  }
0x18: {  	[sflag:s10] =	ssyncset.done $0x0  }
0x19: {  	[sflag:s10] =	ssyncadd.s32 $0xFFFFFC00  }
0x1a: {  	s16 =	simm.s32 $0x2800;
	[bflag:$0x0] =	sbarrier.arrive $0xFFFF  }
0x1b: {  	[spmem:s2] =	stream.indirect.scatter.add.f32 [tilespmem:s12], [sflag:$0x1], $0x10, s16, s13, $0xb8;
	[tilespmem:$0x5340] =	vst v63  }
0x1c: {  	s16 =	simm.s32 $0x100;
	_ =	swait.ge [sflag:s10], $0x400  }
.LBB2_2:
0x1d: {  	s17 =	sshra.s32 s16, $0x2;
	[sflag:s10] =	ssyncset.done $0x0;
	p0 =	sne.s32 s16, $0x9C00  }
.Ltmp0:
0x1e: {  	s17 =	sadd.s32 $0x2800, s17;
	[sflag:s10] =	ssyncadd.s32 $0xFFFFFC00;
	(pc) =	sbr.rel @p0 .LBB2_2-.Ltmp0, $3  }
0x1f: {  	[spmem:s2] =	stream.indirect.scatter.add.f32 [tilespmem:s12], [sflag:$0x1], $0x10, s17, s13, $0xb8;
	[tilespmem:$0x5340] =	vst v63  }
0x20: {  	s16 =	sadd.s32 $0x100, s16;
	_ =	sdelay $0x1  }
0x21: {  	_ =	swait.ge [sflag:s10], $0x400  }
0x22: {  	[sflag:s10] =	ssyncset.done $0x0;
	s15 =	sadd.s32 $0x1, s15  }
0x23: {  	[sflag:s10] =	ssyncadd.s32 $0xFFFFFC00;
	p0 =	sne.s32 s15, s8  }
.Ltmp1:
0x24: {  	[bflag:$0x0] =	sbarrier.arrive $0xFFFF;
	(pc) =	sbr.rel @p0 .LBB2_1-.Ltmp1, $4  }
0x25: {  	[hbm:s14], [sflag:s6] =	dma.local [spmem:s9], $0x500  }
0x26: {  	_ =	swait.ge [sflag:s10], $0x500  }
0x27: {  	[sflag:s10] =	ssyncset.done $0x0  }
0x28: {  	[sflag:s10] =	ssyncadd.s32 $0xFFFFFB00  }
0x29: {  	_ =	sfence.sel $0x180000  }
0x2a: {  	[bflag:$0x0] =	sbarrier.arrive $0xFFFF  }
0x2b: {  	p0 =	sne.s32 s0, $0x0;
	_ =	strace $0x90000047  }
0x2c: {  	s0 =	sadd.s32 @!p0 $0x100000, s1;
	[bflag:$0x2] =	sbarrier.arrive $0xFFFF  }
0x2d: {  	[sflag:s0] =	ssyncadd.tile.s32 @!p0 $0x1;
	_ =	shalt  }
.Lfunc_end2:
_tile_overlayer_lowered:
.L_overlay_start_2:
0x2e: {  	(tag) =	ssettag $0x2  }
0x2f: {  	s0 =	rddreg [dreg:$0x0];
	s2 =	stileid.u32  }
0x30: {  	s1 =	rddreg [dreg:$0x1];
	p0 =	sne.s32 s2, $0x0  }
0x31: {  	s3 =	rddreg [dreg:$0x2];
	[bflag:$0x3] =	sbarrier.arrive $0xFFFF;
	s2 =	simm.s32 @!p0 $0x1C01  }
0x32: {  	[timem:s3], [sflag:s2] =	dma.local @!p0 [hbm:s0], s1  }
0x33: {  	s0 =	simm.s32 @!p0 $0x1  }
0x34: {  	_ =	swait.ge @!p0 [sflag:s0], s1  }
0x35: {  	s1 =	ssub.s32 @!p0 $0x0, s1;
	[sflag:s0] =	ssyncset.done @!p0 $0x0  }
0x36: {  	[sflag:s0] =	ssyncadd.s32 @!p0 s1  }
0x37: {  	[bflag:$0x3] =	sbarrier.arrive $0xFFFF  }
0x38: {  	_ =	shalt  }

</sc_bundles>
